<compile_context>
chip_gen: v7x
topology: tpu7x:2x2x1
jax: 0.10.2.dev20260603
libtpu: 0.0.44.dev20260713+nightly
codegen_flags: <defaults>
</compile_context>

<pallas_src>
import functools

import jax
import jax.numpy as jnp
from jax import lax
from jax.experimental import pallas as pl
from jax.experimental.pallas import tpu as pltpu
from jax.experimental.pallas import tpu_sc as plsc


@functools.lru_cache(maxsize=None)
def _make_pe_gather(B, V, D):
    info = plsc.get_sparse_core_info()
    NC, NS, L = info.num_cores, info.num_subcores, info.num_lanes
    NW = NC * NS
    assert B % NW == 0 and D % L == 0
    b_per_w = B // NW
    CH = 64
    assert b_per_w % CH == 0
    NCH = b_per_w // CH
    NBUF = 3
    LEAD = NBUF - 1
    mesh = plsc.VectorSubcoreMesh(core_axis_name="c", subcore_axis_name="s")

    @functools.partial(
        pl.kernel,
        mesh=mesh,
        out_type=jax.ShapeDtypeStruct((B, D), jnp.float32),
        scratch_types=[
            pltpu.VMEM((b_per_w,), jnp.float32),
            pltpu.VMEM((NCH, CH), jnp.int32),
            pltpu.VMEM((NBUF, CH, D), jnp.float32),
        ]
        + [pltpu.SemaphoreType.DMA] * (2 * NBUF),
    )
    def k(t_hbm, pe_hbm, out_hbm, t_v, idx_v, rows_v, *sems):
        gsem = sems[:NBUF]
        osem = sems[NBUF:]
        wid = lax.axis_index("s") * NC + lax.axis_index("c")
        base = wid * b_per_w
        scale = jnp.float32(V - 1)
        pltpu.sync_copy(t_hbm.at[pl.ds(base, b_per_w)], t_v)

        def compute_idx(c):
            for j in range(CH // L):
                tv = t_v[pl.ds(c * CH + j * L, L)]
                iv = jnp.clip((tv * scale).astype(jnp.int32), 0, V - 1)
                idx_v[c, pl.ds(j * L, L)] = iv

        def gather(c):
            b = c % NBUF
            return pltpu.async_copy(pe_hbm.at[idx_v.at[c]], rows_v.at[b], gsem[b])

        def put(c):
            b = c % NBUF
            return pltpu.async_copy(
                rows_v.at[b], out_hbm.at[pl.ds(base + c * CH, CH)], osem[b])

        gpend = [None] * NBUF
        opend = [None] * NBUF
        for i in range(NCH + LEAD):
            cg = i
            if cg < NCH:
                b = cg % NBUF
                if opend[b] is not None:
                    opend[b].wait()
                    opend[b] = None
                compute_idx(cg)
                gpend[b] = gather(cg)
            cp = i - LEAD
            if 0 <= cp < NCH:
                b = cp % NBUF
                gpend[b].wait()
                opend[b] = put(cp)
        for p in opend:
            if p is not None:
                p.wait()

    return k


def kernel(t, pe):
    B, = t.shape
    V, D = pe.shape
    return _make_pe_gather(B, V, D)(t, pe)

# --- scband reference (transcript-rebuilt; emitter-appended) ---
"""Pipeline reference for scband-positional-encoding-4518305595475 (READ-ONLY COPY).

The authoritative reference and input builder live on the scoring server;
editing this copy changes nothing except your own understanding.
"""

import jax, jax.numpy as jnp
import numpy as np

D_MODEL = 512
MAX_LEN = 10000
BATCH = 16384

def _build_pe(max_len, d_model):
    pe = np.zeros((max_len, d_model), dtype=np.float32)
    position = np.arange(0, max_len, dtype=np.float32)[:, None]
    div_term = np.exp(np.arange(0, d_model, 2).astype(np.float32) * (-np.log(10000.0) / d_model))
    pe[:, 0::2] = np.sin(position * div_term)
    pe[:, 1::2] = np.cos(position * div_term)
    return jnp.asarray(pe)

def setup_inputs(seed: int = 0) -> dict:
    key = jax.random.key(seed)
    t = jax.random.uniform(key, (BATCH,), dtype=jnp.float32)
    pe = _build_pe(MAX_LEN, D_MODEL)
    return {"t": t, "pe": pe}

def reference(t, pe):
    max_len = pe.shape[0]
    t_scaled = jnp.clip((t * (max_len - 1)).astype(jnp.int32), 0, max_len - 1)
    return jnp.take(pe, t_scaled, axis=0)

if __name__ == "__main__":
    import jax
    _d = setup_inputs()
    print(jax.jit(kernel)(*tuple(_d.values())))

</pallas_src>

<mosaic_0001>
#map = affine_map<(d0, d1) -> (0)>
#map1 = affine_map<(d0, d1) -> (0, 0)>
module attributes {stable_mosaic.version = 14 : i64} {
  func.func @k(%arg0: i32, %arg1: i32, %arg2: memref<16384xf32, #tpu.memory_space<hbm>>, %arg3: memref<10000x512xf32, #tpu.memory_space<hbm>>, %arg4: memref<16384x512xf32, #tpu.memory_space<hbm>>, %arg5: memref<512xf32, #tpu.memory_space<vmem>>, %arg6: memref<8x64xi32, #tpu.memory_space<vmem>>, %arg7: memref<3x64x512xf32, #tpu.memory_space<vmem>>, %arg8: memref<!tpu.dma_semaphore, #tpu.memory_space<semaphore_mem>>, %arg9: memref<!tpu.dma_semaphore, #tpu.memory_space<semaphore_mem>>, %arg10: memref<!tpu.dma_semaphore, #tpu.memory_space<semaphore_mem>>, %arg11: memref<!tpu.dma_semaphore, #tpu.memory_space<semaphore_mem>>, %arg12: memref<!tpu.dma_semaphore, #tpu.memory_space<semaphore_mem>>, %arg13: memref<!tpu.dma_semaphore, #tpu.memory_space<semaphore_mem>>) attributes {dimension_semantics = [#tpu.dimension_semantics<core_parallel>, #tpu.dimension_semantics<subcore_parallel>], iteration_bounds = array<i64: 2, 16>, scalar_prefetch = 0 : i64, scratch_operands = 9 : i64, tpu.core_type = #tpu.core_type<sc_vector_subcore>, window_params = [{transform_indices = #map}, {transform_indices = #map1}, {transform_indices = #map1}]} {
    %mul3A = arith.constant 2 : i32
    %mul3A_0 = arith.muli %arg1, %mul3A : i32
    %add3A = arith.addi %mul3A_0, %arg0 : i32
    %mul3A_1 = arith.constant 512 : i32
    %mul3A_2 = arith.muli %add3A, %mul3A_1 : i32
    "tpu.region"() ({
      %run_scoped3A = tpu.sem_alloc : memref<!tpu.dma_semaphore, #tpu.memory_space<semaphore_mem>>
      %dma_start3A_1019 = tpu.memref_slice %arg2[%mul3A_2] : memref<16384xf32, #tpu.memory_space<hbm>> -> memref<512xf32, #tpu.memory_space<hbm>>
      %dma_start3A_1020 = tpu.memref_slice %arg2[%mul3A_2] : memref<16384xf32, #tpu.memory_space<hbm>> -> memref<512xf32, #tpu.memory_space<hbm>>
      tpu.enqueue_dma source(%dma_start3A_1020 : memref<512xf32, #tpu.memory_space<hbm>>) target(%arg5 : memref<512xf32, #tpu.memory_space<vmem>>) target_semaphore(%run_scoped3A : memref<!tpu.dma_semaphore, #tpu.memory_space<semaphore_mem>>)
      %dma_wait3A_1021 = tpu.memref_slice %arg2[%mul3A_2] : memref<16384xf32, #tpu.memory_space<hbm>> -> memref<512xf32, #tpu.memory_space<hbm>>
      %dma_wait3A_1022 = tpu.memref_slice %arg2[%mul3A_2] : memref<16384xf32, #tpu.memory_space<hbm>> -> memref<512xf32, #tpu.memory_space<hbm>>
      tpu.wait_dma2 semaphore(%run_scoped3A : memref<!tpu.dma_semaphore, #tpu.memory_space<semaphore_mem>>) src(%dma_wait3A_1022 : memref<512xf32, #tpu.memory_space<hbm>>) dst(%arg5 : memref<512xf32, #tpu.memory_space<vmem>>)
      tpu.yield
    }) : () -> ()
    %get3A = arith.constant 0 : index
    %get3A_3 = tpu.vector_load %arg5[%get3A] {strides = array<i32>} : memref<512xf32, #tpu.memory_space<vmem>>, vector<16xf32>,
    %get3A_4 = vector.shape_cast %get3A_3 : vector<16xf32> to vector<16xf32>
    %mul3A_5 = arith.constant 9.999000e+03 : f32
    %mul3A_6 = vector.broadcast %mul3A_5 : f32 to vector<16xf32>
    %mul3A_7 = arith.mulf %get3A_4, %mul3A_6 : vector<16xf32>
    %convert_element_type3A = arith.fptosi %mul3A_7 : vector<16xf32> to vector<16xi32>
    %jit3A = arith.constant 0 : i32
    %jit3A_8 = arith.constant 9999 : i32
    %max3A = vector.broadcast %jit3A : i32 to vector<16xi32>
    %max3A_9 = arith.maxsi %max3A, %convert_element_type3A : vector<16xi32>
    %min3A = vector.broadcast %jit3A_8 : i32 to vector<16xi32>
    %min3A_10 = arith.minsi %min3A, %max3A_9 : vector<16xi32>
    %swap3A = arith.constant 0 : i32
    %swap3A_11 = arith.index_cast %swap3A : i32 to index
    %swap3A_12 = arith.constant 0 : index
    %swap3A_13 = tpu.vector_load %arg6[%swap3A_11, %swap3A_12] {strides = array<i32>} : memref<8x64xi32, #tpu.memory_space<vmem>>, vector<1x16xi32>,
    %swap3A_14 = vector.shape_cast %swap3A_13 : vector<1x16xi32> to vector<16xi32>
    %swap3A_15 = vector.shape_cast %min3A_10 : vector<16xi32> to vector<1x16xi32>
    tpu.vector_store %arg6[%swap3A_11, %swap3A_12], %swap3A_15 {strides = array<i32>} : memref<8x64xi32, #tpu.memory_space<vmem>>, vector<1x16xi32>,
    %get3A_16 = arith.constant 16 : index
    %get3A_17 = tpu.vector_load %arg5[%get3A_16] {strides = array<i32>} : memref<512xf32, #tpu.memory_space<vmem>>, vector<16xf32>,
    %get3A_18 = vector.shape_cast %get3A_17 : vector<16xf32> to vector<16xf32>
    %mul3A_19 = arith.constant 9.999000e+03 : f32
    %mul3A_20 = vector.broadcast %mul3A_19 : f32 to vector<16xf32>
    %mul3A_21 = arith.mulf %get3A_18, %mul3A_20 : vector<16xf32>
    %convert_element_type3A_22 = arith.fptosi %mul3A_21 : vector<16xf32> to vector<16xi32>
    %jit3A_23 = arith.constant 0 : i32
    %jit3A_24 = arith.constant 9999 : i32
    %max3A_25 = vector.broadcast %jit3A_23 : i32 to vector<16xi32>
    %max3A_26 = arith.maxsi %max3A_25, %convert_element_type3A_22 : vector<16xi32>
    %min3A_27 = vector.broadcast %jit3A_24 : i32 to vector<16xi32>
    %min3A_28 = arith.minsi %min3A_27, %max3A_26 : vector<16xi32>
    %swap3A_29 = arith.constant 0 : i32
    %swap3A_30 = arith.index_cast %swap3A_29 : i32 to index
    %swap3A_31 = arith.constant 16 : index
    %swap3A_32 = tpu.vector_load %arg6[%swap3A_30, %swap3A_31] {strides = array<i32>} : memref<8x64xi32, #tpu.memory_space<vmem>>, vector<1x16xi32>,
    %swap3A_33 = vector.shape_cast %swap3A_32 : vector<1x16xi32> to vector<16xi32>
    %swap3A_34 = vector.shape_cast %min3A_28 : vector<16xi32> to vector<1x16xi32>
    tpu.vector_store %arg6[%swap3A_30, %swap3A_31], %swap3A_34 {strides = array<i32>} : memref<8x64xi32, #tpu.memory_space<vmem>>, vector<1x16xi32>,
    %get3A_35 = arith.constant 32 : index
    %get3A_36 = tpu.vector_load %arg5[%get3A_35] {strides = array<i32>} : memref<512xf32, #tpu.memory_space<vmem>>, vector<16xf32>,
    %get3A_37 = vector.shape_cast %get3A_36 : vector<16xf32> to vector<16xf32>
    %mul3A_38 = arith.constant 9.999000e+03 : f32
    %mul3A_39 = vector.broadcast %mul3A_38 : f32 to vector<16xf32>
    %mul3A_40 = arith.mulf %get3A_37, %mul3A_39 : vector<16xf32>
    %convert_element_type3A_41 = arith.fptosi %mul3A_40 : vector<16xf32> to vector<16xi32>
    %jit3A_42 = arith.constant 0 : i32
    %jit3A_43 = arith.constant 9999 : i32
    %max3A_44 = vector.broadcast %jit3A_42 : i32 to vector<16xi32>
    %max3A_45 = arith.maxsi %max3A_44, %convert_element_type3A_41 : vector<16xi32>
    %min3A_46 = vector.broadcast %jit3A_43 : i32 to vector<16xi32>
    %min3A_47 = arith.minsi %min3A_46, %max3A_45 : vector<16xi32>
    %swap3A_48 = arith.constant 0 : i32
    %swap3A_49 = arith.index_cast %swap3A_48 : i32 to index
    %swap3A_50 = arith.constant 32 : index
    %swap3A_51 = tpu.vector_load %arg6[%swap3A_49, %swap3A_50] {strides = array<i32>} : memref<8x64xi32, #tpu.memory_space<vmem>>, vector<1x16xi32>,
    %swap3A_52 = vector.shape_cast %swap3A_51 : vector<1x16xi32> to vector<16xi32>
    %swap3A_53 = vector.shape_cast %min3A_47 : vector<16xi32> to vector<1x16xi32>
    tpu.vector_store %arg6[%swap3A_49, %swap3A_50], %swap3A_53 {strides = array<i32>} : memref<8x64xi32, #tpu.memory_space<vmem>>, vector<1x16xi32>,
    %get3A_54 = arith.constant 48 : index
    %get3A_55 = tpu.vector_load %arg5[%get3A_54] {strides = array<i32>} : memref<512xf32, #tpu.memory_space<vmem>>, vector<16xf32>,
    %get3A_56 = vector.shape_cast %get3A_55 : vector<16xf32> to vector<16xf32>
    %mul3A_57 = arith.constant 9.999000e+03 : f32
    %mul3A_58 = vector.broadcast %mul3A_57 : f32 to vector<16xf32>
    %mul3A_59 = arith.mulf %get3A_56, %mul3A_58 : vector<16xf32>
    %convert_element_type3A_60 = arith.fptosi %mul3A_59 : vector<16xf32> to vector<16xi32>
    %jit3A_61 = arith.constant 0 : i32
    %jit3A_62 = arith.constant 9999 : i32
    %max3A_63 = vector.broadcast %jit3A_61 : i32 to vector<16xi32>
    %max3A_64 = arith.maxsi %max3A_63, %convert_element_type3A_60 : vector<16xi32>
    %min3A_65 = vector.broadcast %jit3A_62 : i32 to vector<16xi32>
    %min3A_66 = arith.minsi %min3A_65, %max3A_64 : vector<16xi32>
    %swap3A_67 = arith.constant 0 : i32
    %swap3A_68 = arith.index_cast %swap3A_67 : i32 to index
    %swap3A_69 = arith.constant 48 : index
    %swap3A_70 = tpu.vector_load %arg6[%swap3A_68, %swap3A_69] {strides = array<i32>} : memref<8x64xi32, #tpu.memory_space<vmem>>, vector<1x16xi32>,
    %swap3A_71 = vector.shape_cast %swap3A_70 : vector<1x16xi32> to vector<16xi32>
    %swap3A_72 = vector.shape_cast %min3A_66 : vector<16xi32> to vector<1x16xi32>
    tpu.vector_store %arg6[%swap3A_68, %swap3A_69], %swap3A_72 {strides = array<i32>} : memref<8x64xi32, #tpu.memory_space<vmem>>, vector<1x16xi32>,
    %dma_start3A = arith.constant 0 : i32
    %dma_start3A_73 = arith.constant 0 : i32
    %dma_start3A_74 = arith.constant 0 : i32
    %dma_start3A_75 = arith.constant 0 : i32
    %dma_start3A_76 = tpu.memref_slice %arg7[%dma_start3A_73, %dma_start3A_74, %dma_start3A_75] : memref<3x64x512xf32, #tpu.memory_space<vmem>> -> memref<1x64x512xf32, #tpu.memory_space<vmem>>
    %dma_start3A_77 = tpu.memref_squeeze %dma_start3A_76 : memref<1x64x512xf32, #tpu.memory_space<vmem>> -> memref<64x512xf32, #tpu.memory_space<vmem>>
    %dma_start3A_78 = arith.constant 0 : i32
    %dma_start3A_79 = tpu.memref_slice %arg6[%dma_start3A, %dma_start3A_78] : memref<8x64xi32, #tpu.memory_space<vmem>> -> memref<1x64xi32, #tpu.memory_space<vmem>>
    %dma_start3A_80 = tpu.memref_squeeze %dma_start3A_79 : memref<1x64xi32, #tpu.memory_space<vmem>> -> memref<64xi32, #tpu.memory_space<vmem>>
    %dma_start3A_81 = arith.constant 0 : i32
    %dma_start3A_82 = arith.constant 0 : i32
    %dma_start3A_83 = tpu.memref_slice %arg3[%dma_start3A_81, %dma_start3A_82] : memref<10000x512xf32, #tpu.memory_space<hbm>> -> memref<10000x512xf32, #tpu.memory_space<hbm>>
    tpu.enqueue_indirect_dma source(%dma_start3A_83 : memref<10000x512xf32, #tpu.memory_space<hbm>>) target(%dma_start3A_77 : memref<64x512xf32, #tpu.memory_space<vmem>>) offsets(%dma_start3A_80 : memref<64xi32, #tpu.memory_space<vmem>>) semaphore(%arg8 : memref<!tpu.dma_semaphore, #tpu.memory_space<semaphore_mem>>)
    %get3A_84 = arith.constant 64 : index
    %get3A_85 = tpu.vector_load %arg5[%get3A_84] {strides = array<i32>} : memref<512xf32, #tpu.memory_space<vmem>>, vector<16xf32>,
    %get3A_86 = vector.shape_cast %get3A_85 : vector<16xf32> to vector<16xf32>
    %mul3A_87 = arith.constant 9.999000e+03 : f32
    %mul3A_88 = vector.broadcast %mul3A_87 : f32 to vector<16xf32>
    %mul3A_89 = arith.mulf %get3A_86, %mul3A_88 : vector<16xf32>
    %convert_element_type3A_90 = arith.fptosi %mul3A_89 : vector<16xf32> to vector<16xi32>
    %jit3A_91 = arith.constant 0 : i32
    %jit3A_92 = arith.constant 9999 : i32
    %max3A_93 = vector.broadcast %jit3A_91 : i32 to vector<16xi32>
    %max3A_94 = arith.maxsi %max3A_93, %convert_element_type3A_90 : vector<16xi32>
    %min3A_95 = vector.broadcast %jit3A_92 : i32 to vector<16xi32>
    %min3A_96 = arith.minsi %min3A_95, %max3A_94 : vector<16xi32>
    %swap3A_97 = arith.constant 1 : i32
    %swap3A_98 = arith.index_cast %swap3A_97 : i32 to index
    %swap3A_99 = arith.constant 0 : index
    %swap3A_100 = tpu.vector_load %arg6[%swap3A_98, %swap3A_99] {strides = array<i32>} : memref<8x64xi32, #tpu.memory_space<vmem>>, vector<1x16xi32>,
    %swap3A_101 = vector.shape_cast %swap3A_100 : vector<1x16xi32> to vector<16xi32>
    %swap3A_102 = vector.shape_cast %min3A_96 : vector<16xi32> to vector<1x16xi32>
    tpu.vector_store %arg6[%swap3A_98, %swap3A_99], %swap3A_102 {strides = array<i32>} : memref<8x64xi32, #tpu.memory_space<vmem>>, vector<1x16xi32>,
    %get3A_103 = arith.constant 80 : index
    %get3A_104 = tpu.vector_load %arg5[%get3A_103] {strides = array<i32>} : memref<512xf32, #tpu.memory_space<vmem>>, vector<16xf32>,
    %get3A_105 = vector.shape_cast %get3A_104 : vector<16xf32> to vector<16xf32>
    %mul3A_106 = arith.constant 9.999000e+03 : f32
    %mul3A_107 = vector.broadcast %mul3A_106 : f32 to vector<16xf32>
    %mul3A_108 = arith.mulf %get3A_105, %mul3A_107 : vector<16xf32>
    %convert_element_type3A_109 = arith.fptosi %mul3A_108 : vector<16xf32> to vector<16xi32>
    %jit3A_110 = arith.constant 0 : i32
    %jit3A_111 = arith.constant 9999 : i32
    %max3A_112 = vector.broadcast %jit3A_110 : i32 to vector<16xi32>
    %max3A_113 = arith.maxsi %max3A_112, %convert_element_type3A_109 : vector<16xi32>
    %min3A_114 = vector.broadcast %jit3A_111 : i32 to vector<16xi32>
    %min3A_115 = arith.minsi %min3A_114, %max3A_113 : vector<16xi32>
    %swap3A_116 = arith.constant 1 : i32
    %swap3A_117 = arith.index_cast %swap3A_116 : i32 to index
    %swap3A_118 = arith.constant 16 : index
    %swap3A_119 = tpu.vector_load %arg6[%swap3A_117, %swap3A_118] {strides = array<i32>} : memref<8x64xi32, #tpu.memory_space<vmem>>, vector<1x16xi32>,
    %swap3A_120 = vector.shape_cast %swap3A_119 : vector<1x16xi32> to vector<16xi32>
    %swap3A_121 = vector.shape_cast %min3A_115 : vector<16xi32> to vector<1x16xi32>
    tpu.vector_store %arg6[%swap3A_117, %swap3A_118], %swap3A_121 {strides = array<i32>} : memref<8x64xi32, #tpu.memory_space<vmem>>, vector<1x16xi32>,
    %get3A_122 = arith.constant 96 : index
    %get3A_123 = tpu.vector_load %arg5[%get3A_122] {strides = array<i32>} : memref<512xf32, #tpu.memory_space<vmem>>, vector<16xf32>,
    %get3A_124 = vector.shape_cast %get3A_123 : vector<16xf32> to vector<16xf32>
    %mul3A_125 = arith.constant 9.999000e+03 : f32
    %mul3A_126 = vector.broadcast %mul3A_125 : f32 to vector<16xf32>
    %mul3A_127 = arith.mulf %get3A_124, %mul3A_126 : vector<16xf32>
    %convert_element_type3A_128 = arith.fptosi %mul3A_127 : vector<16xf32> to vector<16xi32>
    %jit3A_129 = arith.constant 0 : i32
    %jit3A_130 = arith.constant 9999 : i32
    %max3A_131 = vector.broadcast %jit3A_129 : i32 to vector<16xi32>
    %max3A_132 = arith.maxsi %max3A_131, %convert_element_type3A_128 : vector<16xi32>
    %min3A_133 = vector.broadcast %jit3A_130 : i32 to vector<16xi32>
    %min3A_134 = arith.minsi %min3A_133, %max3A_132 : vector<16xi32>
    %swap3A_135 = arith.constant 1 : i32
    %swap3A_136 = arith.index_cast %swap3A_135 : i32 to index
    %swap3A_137 = arith.constant 32 : index
    %swap3A_138 = tpu.vector_load %arg6[%swap3A_136, %swap3A_137] {strides = array<i32>} : memref<8x64xi32, #tpu.memory_space<vmem>>, vector<1x16xi32>,
    %swap3A_139 = vector.shape_cast %swap3A_138 : vector<1x16xi32> to vector<16xi32>
    %swap3A_140 = vector.shape_cast %min3A_134 : vector<16xi32> to vector<1x16xi32>
    tpu.vector_store %arg6[%swap3A_136, %swap3A_137], %swap3A_140 {strides = array<i32>} : memref<8x64xi32, #tpu.memory_space<vmem>>, vector<1x16xi32>,
    %get3A_141 = arith.constant 112 : index
    %get3A_142 = tpu.vector_load %arg5[%get3A_141] {strides = array<i32>} : memref<512xf32, #tpu.memory_space<vmem>>, vector<16xf32>,
    %get3A_143 = vector.shape_cast %get3A_142 : vector<16xf32> to vector<16xf32>
    %mul3A_144 = arith.constant 9.999000e+03 : f32
    %mul3A_145 = vector.broadcast %mul3A_144 : f32 to vector<16xf32>
    %mul3A_146 = arith.mulf %get3A_143, %mul3A_145 : vector<16xf32>
    %convert_element_type3A_147 = arith.fptosi %mul3A_146 : vector<16xf32> to vector<16xi32>
    %jit3A_148 = arith.constant 0 : i32
    %jit3A_149 = arith.constant 9999 : i32
    %max3A_150 = vector.broadcast %jit3A_148 : i32 to vector<16xi32>
    %max3A_151 = arith.maxsi %max3A_150, %convert_element_type3A_147 : vector<16xi32>
    %min3A_152 = vector.broadcast %jit3A_149 : i32 to vector<16xi32>
    %min3A_153 = arith.minsi %min3A_152, %max3A_151 : vector<16xi32>
    %swap3A_154 = arith.constant 1 : i32
    %swap3A_155 = arith.index_cast %swap3A_154 : i32 to index
    %swap3A_156 = arith.constant 48 : index
    %swap3A_157 = tpu.vector_load %arg6[%swap3A_155, %swap3A_156] {strides = array<i32>} : memref<8x64xi32, #tpu.memory_space<vmem>>, vector<1x16xi32>,
    %swap3A_158 = vector.shape_cast %swap3A_157 : vector<1x16xi32> to vector<16xi32>
    %swap3A_159 = vector.shape_cast %min3A_153 : vector<16xi32> to vector<1x16xi32>
    tpu.vector_store %arg6[%swap3A_155, %swap3A_156], %swap3A_159 {strides = array<i32>} : memref<8x64xi32, #tpu.memory_space<vmem>>, vector<1x16xi32>,
    %dma_start3A_160 = arith.constant 1 : i32
    %dma_start3A_161 = arith.constant 1 : i32
    %dma_start3A_162 = arith.constant 0 : i32
    %dma_start3A_163 = arith.constant 0 : i32
    %dma_start3A_164 = tpu.memref_slice %arg7[%dma_start3A_161, %dma_start3A_162, %dma_start3A_163] : memref<3x64x512xf32, #tpu.memory_space<vmem>> -> memref<1x64x512xf32, #tpu.memory_space<vmem>>
    %dma_start3A_165 = tpu.memref_squeeze %dma_start3A_164 : memref<1x64x512xf32, #tpu.memory_space<vmem>> -> memref<64x512xf32, #tpu.memory_space<vmem>>
    %dma_start3A_166 = arith.constant 0 : i32
    %dma_start3A_167 = tpu.memref_slice %arg6[%dma_start3A_160, %dma_start3A_166] : memref<8x64xi32, #tpu.memory_space<vmem>> -> memref<1x64xi32, #tpu.memory_space<vmem>>
    %dma_start3A_168 = tpu.memref_squeeze %dma_start3A_167 : memref<1x64xi32, #tpu.memory_space<vmem>> -> memref<64xi32, #tpu.memory_space<vmem>>
    %dma_start3A_169 = arith.constant 0 : i32
    %dma_start3A_170 = arith.constant 0 : i32
    %dma_start3A_171 = tpu.memref_slice %arg3[%dma_start3A_169, %dma_start3A_170] : memref<10000x512xf32, #tpu.memory_space<hbm>> -> memref<10000x512xf32, #tpu.memory_space<hbm>>
    tpu.enqueue_indirect_dma source(%dma_start3A_171 : memref<10000x512xf32, #tpu.memory_space<hbm>>) target(%dma_start3A_165 : memref<64x512xf32, #tpu.memory_space<vmem>>) offsets(%dma_start3A_168 : memref<64xi32, #tpu.memory_space<vmem>>) semaphore(%arg9 : memref<!tpu.dma_semaphore, #tpu.memory_space<semaphore_mem>>)
    %get3A_172 = arith.constant 128 : index
    %get3A_173 = tpu.vector_load %arg5[%get3A_172] {strides = array<i32>} : memref<512xf32, #tpu.memory_space<vmem>>, vector<16xf32>,
    %get3A_174 = vector.shape_cast %get3A_173 : vector<16xf32> to vector<16xf32>
    %mul3A_175 = arith.constant 9.999000e+03 : f32
    %mul3A_176 = vector.broadcast %mul3A_175 : f32 to vector<16xf32>
    %mul3A_177 = arith.mulf %get3A_174, %mul3A_176 : vector<16xf32>
    %convert_element_type3A_178 = arith.fptosi %mul3A_177 : vector<16xf32> to vector<16xi32>
    %jit3A_179 = arith.constant 0 : i32
    %jit3A_180 = arith.constant 9999 : i32
    %max3A_181 = vector.broadcast %jit3A_179 : i32 to vector<16xi32>
    %max3A_182 = arith.maxsi %max3A_181, %convert_element_type3A_178 : vector<16xi32>
    %min3A_183 = vector.broadcast %jit3A_180 : i32 to vector<16xi32>
    %min3A_184 = arith.minsi %min3A_183, %max3A_182 : vector<16xi32>
    %swap3A_185 = arith.constant 2 : i32
    %swap3A_186 = arith.index_cast %swap3A_185 : i32 to index
    %swap3A_187 = arith.constant 0 : index
    %swap3A_188 = tpu.vector_load %arg6[%swap3A_186, %swap3A_187] {strides = array<i32>} : memref<8x64xi32, #tpu.memory_space<vmem>>, vector<1x16xi32>,
    %swap3A_189 = vector.shape_cast %swap3A_188 : vector<1x16xi32> to vector<16xi32>
    %swap3A_190 = vector.shape_cast %min3A_184 : vector<16xi32> to vector<1x16xi32>
    tpu.vector_store %arg6[%swap3A_186, %swap3A_187], %swap3A_190 {strides = array<i32>} : memref<8x64xi32, #tpu.memory_space<vmem>>, vector<1x16xi32>,
    %get3A_191 = arith.constant 144 : index
    %get3A_192 = tpu.vector_load %arg5[%get3A_191] {strides = array<i32>} : memref<512xf32, #tpu.memory_space<vmem>>, vector<16xf32>,
    %get3A_193 = vector.shape_cast %get3A_192 : vector<16xf32> to vector<16xf32>
    %mul3A_194 = arith.constant 9.999000e+03 : f32
    %mul3A_195 = vector.broadcast %mul3A_194 : f32 to vector<16xf32>
    %mul3A_196 = arith.mulf %get3A_193, %mul3A_195 : vector<16xf32>
    %convert_element_type3A_197 = arith.fptosi %mul3A_196 : vector<16xf32> to vector<16xi32>
    %jit3A_198 = arith.constant 0 : i32
    %jit3A_199 = arith.constant 9999 : i32
    %max3A_200 = vector.broadcast %jit3A_198 : i32 to vector<16xi32>
    %max3A_201 = arith.maxsi %max3A_200, %convert_element_type3A_197 : vector<16xi32>
    %min3A_202 = vector.broadcast %jit3A_199 : i32 to vector<16xi32>
    %min3A_203 = arith.minsi %min3A_202, %max3A_201 : vector<16xi32>
    %swap3A_204 = arith.constant 2 : i32
    %swap3A_205 = arith.index_cast %swap3A_204 : i32 to index
    %swap3A_206 = arith.constant 16 : index
    %swap3A_207 = tpu.vector_load %arg6[%swap3A_205, %swap3A_206] {strides = array<i32>} : memref<8x64xi32, #tpu.memory_space<vmem>>, vector<1x16xi32>,
    %swap3A_208 = vector.shape_cast %swap3A_207 : vector<1x16xi32> to vector<16xi32>
    %swap3A_209 = vector.shape_cast %min3A_203 : vector<16xi32> to vector<1x16xi32>
    tpu.vector_store %arg6[%swap3A_205, %swap3A_206], %swap3A_209 {strides = array<i32>} : memref<8x64xi32, #tpu.memory_space<vmem>>, vector<1x16xi32>,
    %get3A_210 = arith.constant 160 : index
    %get3A_211 = tpu.vector_load %arg5[%get3A_210] {strides = array<i32>} : memref<512xf32, #tpu.memory_space<vmem>>, vector<16xf32>,
    %get3A_212 = vector.shape_cast %get3A_211 : vector<16xf32> to vector<16xf32>
    %mul3A_213 = arith.constant 9.999000e+03 : f32
    %mul3A_214 = vector.broadcast %mul3A_213 : f32 to vector<16xf32>
    %mul3A_215 = arith.mulf %get3A_212, %mul3A_214 : vector<16xf32>
    %convert_element_type3A_216 = arith.fptosi %mul3A_215 : vector<16xf32> to vector<16xi32>
    %jit3A_217 = arith.constant 0 : i32
    %jit3A_218 = arith.constant 9999 : i32
    %max3A_219 = vector.broadcast %jit3A_217 : i32 to vector<16xi32>
    %max3A_220 = arith.maxsi %max3A_219, %convert_element_type3A_216 : vector<16xi32>
    %min3A_221 = vector.broadcast %jit3A_218 : i32 to vector<16xi32>
    %min3A_222 = arith.minsi %min3A_221, %max3A_220 : vector<16xi32>
    %swap3A_223 = arith.constant 2 : i32
    %swap3A_224 = arith.index_cast %swap3A_223 : i32 to index
    %swap3A_225 = arith.constant 32 : index
    %swap3A_226 = tpu.vector_load %arg6[%swap3A_224, %swap3A_225] {strides = array<i32>} : memref<8x64xi32, #tpu.memory_space<vmem>>, vector<1x16xi32>,
    %swap3A_227 = vector.shape_cast %swap3A_226 : vector<1x16xi32> to vector<16xi32>
    %swap3A_228 = vector.shape_cast %min3A_222 : vector<16xi32> to vector<1x16xi32>
    tpu.vector_store %arg6[%swap3A_224, %swap3A_225], %swap3A_228 {strides = array<i32>} : memref<8x64xi32, #tpu.memory_space<vmem>>, vector<1x16xi32>,
    %get3A_229 = arith.constant 176 : index
    %get3A_230 = tpu.vector_load %arg5[%get3A_229] {strides = array<i32>} : memref<512xf32, #tpu.memory_space<vmem>>, vector<16xf32>,
    %get3A_231 = vector.shape_cast %get3A_230 : vector<16xf32> to vector<16xf32>
    %mul3A_232 = arith.constant 9.999000e+03 : f32
    %mul3A_233 = vector.broadcast %mul3A_232 : f32 to vector<16xf32>
    %mul3A_234 = arith.mulf %get3A_231, %mul3A_233 : vector<16xf32>
    %convert_element_type3A_235 = arith.fptosi %mul3A_234 : vector<16xf32> to vector<16xi32>
    %jit3A_236 = arith.constant 0 : i32
    %jit3A_237 = arith.constant 9999 : i32
    %max3A_238 = vector.broadcast %jit3A_236 : i32 to vector<16xi32>
    %max3A_239 = arith.maxsi %max3A_238, %convert_element_type3A_235 : vector<16xi32>
    %min3A_240 = vector.broadcast %jit3A_237 : i32 to vector<16xi32>
    %min3A_241 = arith.minsi %min3A_240, %max3A_239 : vector<16xi32>
    %swap3A_242 = arith.constant 2 : i32
    %swap3A_243 = arith.index_cast %swap3A_242 : i32 to index
    %swap3A_244 = arith.constant 48 : index
    %swap3A_245 = tpu.vector_load %arg6[%swap3A_243, %swap3A_244] {strides = array<i32>} : memref<8x64xi32, #tpu.memory_space<vmem>>, vector<1x16xi32>,
    %swap3A_246 = vector.shape_cast %swap3A_245 : vector<1x16xi32> to vector<16xi32>
    %swap3A_247 = vector.shape_cast %min3A_241 : vector<16xi32> to vector<1x16xi32>
    tpu.vector_store %arg6[%swap3A_243, %swap3A_244], %swap3A_247 {strides = array<i32>} : memref<8x64xi32, #tpu.memory_space<vmem>>, vector<1x16xi32>,
    %dma_start3A_248 = arith.constant 2 : i32
    %dma_start3A_249 = arith.constant 2 : i32
    %dma_start3A_250 = arith.constant 0 : i32
    %dma_start3A_251 = arith.constant 0 : i32
    %dma_start3A_252 = tpu.memref_slice %arg7[%dma_start3A_249, %dma_start3A_250, %dma_start3A_251] : memref<3x64x512xf32, #tpu.memory_space<vmem>> -> memref<1x64x512xf32, #tpu.memory_space<vmem>>
    %dma_start3A_253 = tpu.memref_squeeze %dma_start3A_252 : memref<1x64x512xf32, #tpu.memory_space<vmem>> -> memref<64x512xf32, #tpu.memory_space<vmem>>
    %dma_start3A_254 = arith.constant 0 : i32
    %dma_start3A_255 = tpu.memref_slice %arg6[%dma_start3A_248, %dma_start3A_254] : memref<8x64xi32, #tpu.memory_space<vmem>> -> memref<1x64xi32, #tpu.memory_space<vmem>>
    %dma_start3A_256 = tpu.memref_squeeze %dma_start3A_255 : memref<1x64xi32, #tpu.memory_space<vmem>> -> memref<64xi32, #tpu.memory_space<vmem>>
    %dma_start3A_257 = arith.constant 0 : i32
    %dma_start3A_258 = arith.constant 0 : i32
    %dma_start3A_259 = tpu.memref_slice %arg3[%dma_start3A_257, %dma_start3A_258] : memref<10000x512xf32, #tpu.memory_space<hbm>> -> memref<10000x512xf32, #tpu.memory_space<hbm>>
    tpu.enqueue_indirect_dma source(%dma_start3A_259 : memref<10000x512xf32, #tpu.memory_space<hbm>>) target(%dma_start3A_253 : memref<64x512xf32, #tpu.memory_space<vmem>>) offsets(%dma_start3A_256 : memref<64xi32, #tpu.memory_space<vmem>>) semaphore(%arg10 : memref<!tpu.dma_semaphore, #tpu.memory_space<semaphore_mem>>)
    %dma_wait3A = arith.constant 0 : i32
    %dma_wait3A_260 = arith.constant 0 : i32
    %dma_wait3A_261 = arith.constant 0 : i32
    %dma_wait3A_262 = arith.constant 0 : i32
    %dma_wait3A_263 = tpu.memref_slice %arg7[%dma_wait3A_260, %dma_wait3A_261, %dma_wait3A_262] : memref<3x64x512xf32, #tpu.memory_space<vmem>> -> memref<1x64x512xf32, #tpu.memory_space<vmem>>
    %dma_wait3A_264 = tpu.memref_squeeze %dma_wait3A_263 : memref<1x64x512xf32, #tpu.memory_space<vmem>> -> memref<64x512xf32, #tpu.memory_space<vmem>>
    %dma_wait3A_265 = arith.constant 0 : i32
    %dma_wait3A_266 = tpu.memref_slice %arg6[%dma_wait3A, %dma_wait3A_265] : memref<8x64xi32, #tpu.memory_space<vmem>> -> memref<1x64xi32, #tpu.memory_space<vmem>>
    %dma_wait3A_267 = tpu.memref_squeeze %dma_wait3A_266 : memref<1x64xi32, #tpu.memory_space<vmem>> -> memref<64xi32, #tpu.memory_space<vmem>>
    %dma_wait3A_268 = arith.constant 0 : i32
    %dma_wait3A_269 = arith.constant 0 : i32
    %dma_wait3A_270 = tpu.memref_slice %arg3[%dma_wait3A_268, %dma_wait3A_269] : memref<10000x512xf32, #tpu.memory_space<hbm>> -> memref<10000x512xf32, #tpu.memory_space<hbm>>
    tpu.wait_indirect_dma semaphore(%arg8 : memref<!tpu.dma_semaphore, #tpu.memory_space<semaphore_mem>>) src(%dma_wait3A_270 : memref<10000x512xf32, #tpu.memory_space<hbm>>) dst(%dma_wait3A_264 : memref<64x512xf32, #tpu.memory_space<vmem>>)
    %add3A_271 = arith.constant 0 : i32
    %add3A_272 = arith.addi %mul3A_2, %add3A_271 : i32
    %dma_start3A_273 = arith.constant 0 : i32
    %dma_start3A_274 = arith.constant 0 : i32
    %dma_start3A_275 = arith.constant 0 : i32
    %dma_start3A_276 = tpu.memref_slice %arg7[%dma_start3A_273, %dma_start3A_274, %dma_start3A_275] : memref<3x64x512xf32, #tpu.memory_space<vmem>> -> memref<1x64x512xf32, #tpu.memory_space<vmem>>
    %dma_start3A_277 = tpu.memref_squeeze %dma_start3A_276 : memref<1x64x512xf32, #tpu.memory_space<vmem>> -> memref<64x512xf32, #tpu.memory_space<vmem>>
    %dma_start3A_278 = arith.constant 0 : i32
    %dma_start3A_279 = tpu.memref_slice %arg4[%add3A_272, %dma_start3A_278] : memref<16384x512xf32, #tpu.memory_space<hbm>> -> memref<64x512xf32, #tpu.memory_space<hbm>>
    %dma_start3A_280 = arith.constant 0 : i32
    %dma_start3A_281 = tpu.memref_slice %arg4[%add3A_272, %dma_start3A_280] : memref<16384x512xf32, #tpu.memory_space<hbm>> -> memref<64x512xf32, #tpu.memory_space<hbm>>
    %dma_start3A_282 = arith.constant 0 : i32
    %dma_start3A_283 = arith.constant 0 : i32
    %dma_start3A_284 = tpu.memref_slice %arg7[%dma_start3A_273, %dma_start3A_282, %dma_start3A_283] : memref<3x64x512xf32, #tpu.memory_space<vmem>> -> memref<1x64x512xf32, #tpu.memory_space<vmem>>
    %dma_start3A_285 = tpu.memref_squeeze %dma_start3A_284 : memref<1x64x512xf32, #tpu.memory_space<vmem>> -> memref<64x512xf32, #tpu.memory_space<vmem>>
    tpu.enqueue_dma source(%dma_start3A_285 : memref<64x512xf32, #tpu.memory_space<vmem>>) target(%dma_start3A_281 : memref<64x512xf32, #tpu.memory_space<hbm>>) target_semaphore(%arg11 : memref<!tpu.dma_semaphore, #tpu.memory_space<semaphore_mem>>)
    %dma_wait3A_286 = arith.constant 0 : i32
    %dma_wait3A_287 = arith.constant 0 : i32
    %dma_wait3A_288 = arith.constant 0 : i32
    %dma_wait3A_289 = tpu.memref_slice %arg7[%dma_wait3A_286, %dma_wait3A_287, %dma_wait3A_288] : memref<3x64x512xf32, #tpu.memory_space<vmem>> -> memref<1x64x512xf32, #tpu.memory_space<vmem>>
    %dma_wait3A_290 = tpu.memref_squeeze %dma_wait3A_289 : memref<1x64x512xf32, #tpu.memory_space<vmem>> -> memref<64x512xf32, #tpu.memory_space<vmem>>
    %dma_wait3A_291 = arith.constant 0 : i32
    %dma_wait3A_292 = tpu.memref_slice %arg4[%add3A_272, %dma_wait3A_291] : memref<16384x512xf32, #tpu.memory_space<hbm>> -> memref<64x512xf32, #tpu.memory_space<hbm>>
    %dma_wait3A_293 = arith.constant 0 : i32
    %dma_wait3A_294 = tpu.memref_slice %arg4[%add3A_272, %dma_wait3A_293] : memref<16384x512xf32, #tpu.memory_space<hbm>> -> memref<64x512xf32, #tpu.memory_space<hbm>>
    %dma_wait3A_295 = arith.constant 0 : i32
    %dma_wait3A_296 = arith.constant 0 : i32
    %dma_wait3A_297 = tpu.memref_slice %arg7[%dma_wait3A_286, %dma_wait3A_295, %dma_wait3A_296] : memref<3x64x512xf32, #tpu.memory_space<vmem>> -> memref<1x64x512xf32, #tpu.memory_space<vmem>>
    %dma_wait3A_298 = tpu.memref_squeeze %dma_wait3A_297 : memref<1x64x512xf32, #tpu.memory_space<vmem>> -> memref<64x512xf32, #tpu.memory_space<vmem>>
    tpu.wait_dma2 semaphore(%arg11 : memref<!tpu.dma_semaphore, #tpu.memory_space<semaphore_mem>>) src(%dma_wait3A_298 : memref<64x512xf32, #tpu.memory_space<vmem>>) dst(%dma_wait3A_294 : memref<64x512xf32, #tpu.memory_space<hbm>>)
    %get3A_299 = arith.constant 192 : index
    %get3A_300 = tpu.vector_load %arg5[%get3A_299] {strides = array<i32>} : memref<512xf32, #tpu.memory_space<vmem>>, vector<16xf32>,
    %get3A_301 = vector.shape_cast %get3A_300 : vector<16xf32> to vector<16xf32>
    %mul3A_302 = arith.constant 9.999000e+03 : f32
    %mul3A_303 = vector.broadcast %mul3A_302 : f32 to vector<16xf32>
    %mul3A_304 = arith.mulf %get3A_301, %mul3A_303 : vector<16xf32>
    %convert_element_type3A_305 = arith.fptosi %mul3A_304 : vector<16xf32> to vector<16xi32>
    %jit3A_306 = arith.constant 0 : i32
    %jit3A_307 = arith.constant 9999 : i32
    %max3A_308 = vector.broadcast %jit3A_306 : i32 to vector<16xi32>
    %max3A_309 = arith.maxsi %max3A_308, %convert_element_type3A_305 : vector<16xi32>
    %min3A_310 = vector.broadcast %jit3A_307 : i32 to vector<16xi32>
    %min3A_311 = arith.minsi %min3A_310, %max3A_309 : vector<16xi32>
    %swap3A_312 = arith.constant 3 : i32
    %swap3A_313 = arith.index_cast %swap3A_312 : i32 to index
    %swap3A_314 = arith.constant 0 : index
    %swap3A_315 = tpu.vector_load %arg6[%swap3A_313, %swap3A_314] {strides = array<i32>} : memref<8x64xi32, #tpu.memory_space<vmem>>, vector<1x16xi32>,
    %swap3A_316 = vector.shape_cast %swap3A_315 : vector<1x16xi32> to vector<16xi32>
    %swap3A_317 = vector.shape_cast %min3A_311 : vector<16xi32> to vector<1x16xi32>
    tpu.vector_store %arg6[%swap3A_313, %swap3A_314], %swap3A_317 {strides = array<i32>} : memref<8x64xi32, #tpu.memory_space<vmem>>, vector<1x16xi32>,
    %get3A_318 = arith.constant 208 : index
    %get3A_319 = tpu.vector_load %arg5[%get3A_318] {strides = array<i32>} : memref<512xf32, #tpu.memory_space<vmem>>, vector<16xf32>,
    %get3A_320 = vector.shape_cast %get3A_319 : vector<16xf32> to vector<16xf32>
    %mul3A_321 = arith.constant 9.999000e+03 : f32
    %mul3A_322 = vector.broadcast %mul3A_321 : f32 to vector<16xf32>
    %mul3A_323 = arith.mulf %get3A_320, %mul3A_322 : vector<16xf32>
    %convert_element_type3A_324 = arith.fptosi %mul3A_323 : vector<16xf32> to vector<16xi32>
    %jit3A_325 = arith.constant 0 : i32
    %jit3A_326 = arith.constant 9999 : i32
    %max3A_327 = vector.broadcast %jit3A_325 : i32 to vector<16xi32>
    %max3A_328 = arith.maxsi %max3A_327, %convert_element_type3A_324 : vector<16xi32>
    %min3A_329 = vector.broadcast %jit3A_326 : i32 to vector<16xi32>
    %min3A_330 = arith.minsi %min3A_329, %max3A_328 : vector<16xi32>
    %swap3A_331 = arith.constant 3 : i32
    %swap3A_332 = arith.index_cast %swap3A_331 : i32 to index
    %swap3A_333 = arith.constant 16 : index
    %swap3A_334 = tpu.vector_load %arg6[%swap3A_332, %swap3A_333] {strides = array<i32>} : memref<8x64xi32, #tpu.memory_space<vmem>>, vector<1x16xi32>,
    %swap3A_335 = vector.shape_cast %swap3A_334 : vector<1x16xi32> to vector<16xi32>
    %swap3A_336 = vector.shape_cast %min3A_330 : vector<16xi32> to vector<1x16xi32>
    tpu.vector_store %arg6[%swap3A_332, %swap3A_333], %swap3A_336 {strides = array<i32>} : memref<8x64xi32, #tpu.memory_space<vmem>>, vector<1x16xi32>,
    %get3A_337 = arith.constant 224 : index
    %get3A_338 = tpu.vector_load %arg5[%get3A_337] {strides = array<i32>} : memref<512xf32, #tpu.memory_space<vmem>>, vector<16xf32>,
    %get3A_339 = vector.shape_cast %get3A_338 : vector<16xf32> to vector<16xf32>
    %mul3A_340 = arith.constant 9.999000e+03 : f32
    %mul3A_341 = vector.broadcast %mul3A_340 : f32 to vector<16xf32>
    %mul3A_342 = arith.mulf %get3A_339, %mul3A_341 : vector<16xf32>
    %convert_element_type3A_343 = arith.fptosi %mul3A_342 : vector<16xf32> to vector<16xi32>
    %jit3A_344 = arith.constant 0 : i32
    %jit3A_345 = arith.constant 9999 : i32
    %max3A_346 = vector.broadcast %jit3A_344 : i32 to vector<16xi32>
    %max3A_347 = arith.maxsi %max3A_346, %convert_element_type3A_343 : vector<16xi32>
    %min3A_348 = vector.broadcast %jit3A_345 : i32 to vector<16xi32>
    %min3A_349 = arith.minsi %min3A_348, %max3A_347 : vector<16xi32>
    %swap3A_350 = arith.constant 3 : i32
    %swap3A_351 = arith.index_cast %swap3A_350 : i32 to index
    %swap3A_352 = arith.constant 32 : index
    %swap3A_353 = tpu.vector_load %arg6[%swap3A_351, %swap3A_352] {strides = array<i32>} : memref<8x64xi32, #tpu.memory_space<vmem>>, vector<1x16xi32>,
    %swap3A_354 = vector.shape_cast %swap3A_353 : vector<1x16xi32> to vector<16xi32>
    %swap3A_355 = vector.shape_cast %min3A_349 : vector<16xi32> to vector<1x16xi32>
    tpu.vector_store %arg6[%swap3A_351, %swap3A_352], %swap3A_355 {strides = array<i32>} : memref<8x64xi32, #tpu.memory_space<vmem>>, vector<1x16xi32>,
    %get3A_356 = arith.constant 240 : index
    %get3A_357 = tpu.vector_load %arg5[%get3A_356] {strides = array<i32>} : memref<512xf32, #tpu.memory_space<vmem>>, vector<16xf32>,
    %get3A_358 = vector.shape_cast %get3A_357 : vector<16xf32> to vector<16xf32>
    %mul3A_359 = arith.constant 9.999000e+03 : f32
    %mul3A_360 = vector.broadcast %mul3A_359 : f32 to vector<16xf32>
    %mul3A_361 = arith.mulf %get3A_358, %mul3A_360 : vector<16xf32>
    %convert_element_type3A_362 = arith.fptosi %mul3A_361 : vector<16xf32> to vector<16xi32>
    %jit3A_363 = arith.constant 0 : i32
    %jit3A_364 = arith.constant 9999 : i32
    %max3A_365 = vector.broadcast %jit3A_363 : i32 to vector<16xi32>
    %max3A_366 = arith.maxsi %max3A_365, %convert_element_type3A_362 : vector<16xi32>
    %min3A_367 = vector.broadcast %jit3A_364 : i32 to vector<16xi32>
    %min3A_368 = arith.minsi %min3A_367, %max3A_366 : vector<16xi32>
    %swap3A_369 = arith.constant 3 : i32
    %swap3A_370 = arith.index_cast %swap3A_369 : i32 to index
    %swap3A_371 = arith.constant 48 : index
    %swap3A_372 = tpu.vector_load %arg6[%swap3A_370, %swap3A_371] {strides = array<i32>} : memref<8x64xi32, #tpu.memory_space<vmem>>, vector<1x16xi32>,
    %swap3A_373 = vector.shape_cast %swap3A_372 : vector<1x16xi32> to vector<16xi32>
    %swap3A_374 = vector.shape_cast %min3A_368 : vector<16xi32> to vector<1x16xi32>
    tpu.vector_store %arg6[%swap3A_370, %swap3A_371], %swap3A_374 {strides = array<i32>} : memref<8x64xi32, #tpu.memory_space<vmem>>, vector<1x16xi32>,
    %dma_start3A_375 = arith.constant 3 : i32
    %dma_start3A_376 = arith.constant 0 : i32
    %dma_start3A_377 = arith.constant 0 : i32
    %dma_start3A_378 = arith.constant 0 : i32
    %dma_start3A_379 = tpu.memref_slice %arg7[%dma_start3A_376, %dma_start3A_377, %dma_start3A_378] : memref<3x64x512xf32, #tpu.memory_space<vmem>> -> memref<1x64x512xf32, #tpu.memory_space<vmem>>
    %dma_start3A_380 = tpu.memref_squeeze %dma_start3A_379 : memref<1x64x512xf32, #tpu.memory_space<vmem>> -> memref<64x512xf32, #tpu.memory_space<vmem>>
    %dma_start3A_381 = arith.constant 0 : i32
    %dma_start3A_382 = tpu.memref_slice %arg6[%dma_start3A_375, %dma_start3A_381] : memref<8x64xi32, #tpu.memory_space<vmem>> -> memref<1x64xi32, #tpu.memory_space<vmem>>
    %dma_start3A_383 = tpu.memref_squeeze %dma_start3A_382 : memref<1x64xi32, #tpu.memory_space<vmem>> -> memref<64xi32, #tpu.memory_space<vmem>>
    %dma_start3A_384 = arith.constant 0 : i32
    %dma_start3A_385 = arith.constant 0 : i32
    %dma_start3A_386 = tpu.memref_slice %arg3[%dma_start3A_384, %dma_start3A_385] : memref<10000x512xf32, #tpu.memory_space<hbm>> -> memref<10000x512xf32, #tpu.memory_space<hbm>>
    tpu.enqueue_indirect_dma source(%dma_start3A_386 : memref<10000x512xf32, #tpu.memory_space<hbm>>) target(%dma_start3A_380 : memref<64x512xf32, #tpu.memory_space<vmem>>) offsets(%dma_start3A_383 : memref<64xi32, #tpu.memory_space<vmem>>) semaphore(%arg8 : memref<!tpu.dma_semaphore, #tpu.memory_space<semaphore_mem>>)
    %dma_wait3A_387 = arith.constant 1 : i32
    %dma_wait3A_388 = arith.constant 1 : i32
    %dma_wait3A_389 = arith.constant 0 : i32
    %dma_wait3A_390 = arith.constant 0 : i32
    %dma_wait3A_391 = tpu.memref_slice %arg7[%dma_wait3A_388, %dma_wait3A_389, %dma_wait3A_390] : memref<3x64x512xf32, #tpu.memory_space<vmem>> -> memref<1x64x512xf32, #tpu.memory_space<vmem>>
    %dma_wait3A_392 = tpu.memref_squeeze %dma_wait3A_391 : memref<1x64x512xf32, #tpu.memory_space<vmem>> -> memref<64x512xf32, #tpu.memory_space<vmem>>
    %dma_wait3A_393 = arith.constant 0 : i32
    %dma_wait3A_394 = tpu.memref_slice %arg6[%dma_wait3A_387, %dma_wait3A_393] : memref<8x64xi32, #tpu.memory_space<vmem>> -> memref<1x64xi32, #tpu.memory_space<vmem>>
    %dma_wait3A_395 = tpu.memref_squeeze %dma_wait3A_394 : memref<1x64xi32, #tpu.memory_space<vmem>> -> memref<64xi32, #tpu.memory_space<vmem>>
    %dma_wait3A_396 = arith.constant 0 : i32
    %dma_wait3A_397 = arith.constant 0 : i32
    %dma_wait3A_398 = tpu.memref_slice %arg3[%dma_wait3A_396, %dma_wait3A_397] : memref<10000x512xf32, #tpu.memory_space<hbm>> -> memref<10000x512xf32, #tpu.memory_space<hbm>>
    tpu.wait_indirect_dma semaphore(%arg9 : memref<!tpu.dma_semaphore, #tpu.memory_space<semaphore_mem>>) src(%dma_wait3A_398 : memref<10000x512xf32, #tpu.memory_space<hbm>>) dst(%dma_wait3A_392 : memref<64x512xf32, #tpu.memory_space<vmem>>)
    %add3A_399 = arith.constant 64 : i32
    %add3A_400 = arith.addi %mul3A_2, %add3A_399 : i32
    %dma_start3A_401 = arith.constant 1 : i32
    %dma_start3A_402 = arith.constant 0 : i32
    %dma_start3A_403 = arith.constant 0 : i32
    %dma_start3A_404 = tpu.memref_slice %arg7[%dma_start3A_401, %dma_start3A_402, %dma_start3A_403] : memref<3x64x512xf32, #tpu.memory_space<vmem>> -> memref<1x64x512xf32, #tpu.memory_space<vmem>>
    %dma_start3A_405 = tpu.memref_squeeze %dma_start3A_404 : memref<1x64x512xf32, #tpu.memory_space<vmem>> -> memref<64x512xf32, #tpu.memory_space<vmem>>
    %dma_start3A_406 = arith.constant 0 : i32
    %dma_start3A_407 = tpu.memref_slice %arg4[%add3A_400, %dma_start3A_406] : memref<16384x512xf32, #tpu.memory_space<hbm>> -> memref<64x512xf32, #tpu.memory_space<hbm>>
    %dma_start3A_408 = arith.constant 0 : i32
    %dma_start3A_409 = tpu.memref_slice %arg4[%add3A_400, %dma_start3A_408] : memref<16384x512xf32, #tpu.memory_space<hbm>> -> memref<64x512xf32, #tpu.memory_space<hbm>>
    %dma_start3A_410 = arith.constant 0 : i32
    %dma_start3A_411 = arith.constant 0 : i32
    %dma_start3A_412 = tpu.memref_slice %arg7[%dma_start3A_401, %dma_start3A_410, %dma_start3A_411] : memref<3x64x512xf32, #tpu.memory_space<vmem>> -> memref<1x64x512xf32, #tpu.memory_space<vmem>>
    %dma_start3A_413 = tpu.memref_squeeze %dma_start3A_412 : memref<1x64x512xf32, #tpu.memory_space<vmem>> -> memref<64x512xf32, #tpu.memory_space<vmem>>
    tpu.enqueue_dma source(%dma_start3A_413 : memref<64x512xf32, #tpu.memory_space<vmem>>) target(%dma_start3A_409 : memref<64x512xf32, #tpu.memory_space<hbm>>) target_semaphore(%arg12 : memref<!tpu.dma_semaphore, #tpu.memory_space<semaphore_mem>>)
    %dma_wait3A_414 = arith.constant 1 : i32
    %dma_wait3A_415 = arith.constant 0 : i32
    %dma_wait3A_416 = arith.constant 0 : i32
    %dma_wait3A_417 = tpu.memref_slice %arg7[%dma_wait3A_414, %dma_wait3A_415, %dma_wait3A_416] : memref<3x64x512xf32, #tpu.memory_space<vmem>> -> memref<1x64x512xf32, #tpu.memory_space<vmem>>
    %dma_wait3A_418 = tpu.memref_squeeze %dma_wait3A_417 : memref<1x64x512xf32, #tpu.memory_space<vmem>> -> memref<64x512xf32, #tpu.memory_space<vmem>>
    %dma_wait3A_419 = arith.constant 0 : i32
    %dma_wait3A_420 = tpu.memref_slice %arg4[%add3A_400, %dma_wait3A_419] : memref<16384x512xf32, #tpu.memory_space<hbm>> -> memref<64x512xf32, #tpu.memory_space<hbm>>
    %dma_wait3A_421 = arith.constant 0 : i32
    %dma_wait3A_422 = tpu.memref_slice %arg4[%add3A_400, %dma_wait3A_421] : memref<16384x512xf32, #tpu.memory_space<hbm>> -> memref<64x512xf32, #tpu.memory_space<hbm>>
    %dma_wait3A_423 = arith.constant 0 : i32
    %dma_wait3A_424 = arith.constant 0 : i32
    %dma_wait3A_425 = tpu.memref_slice %arg7[%dma_wait3A_414, %dma_wait3A_423, %dma_wait3A_424] : memref<3x64x512xf32, #tpu.memory_space<vmem>> -> memref<1x64x512xf32, #tpu.memory_space<vmem>>
    %dma_wait3A_426 = tpu.memref_squeeze %dma_wait3A_425 : memref<1x64x512xf32, #tpu.memory_space<vmem>> -> memref<64x512xf32, #tpu.memory_space<vmem>>
    tpu.wait_dma2 semaphore(%arg12 : memref<!tpu.dma_semaphore, #tpu.memory_space<semaphore_mem>>) src(%dma_wait3A_426 : memref<64x512xf32, #tpu.memory_space<vmem>>) dst(%dma_wait3A_422 : memref<64x512xf32, #tpu.memory_space<hbm>>)
    %get3A_427 = arith.constant 256 : index
    %get3A_428 = tpu.vector_load %arg5[%get3A_427] {strides = array<i32>} : memref<512xf32, #tpu.memory_space<vmem>>, vector<16xf32>,
    %get3A_429 = vector.shape_cast %get3A_428 : vector<16xf32> to vector<16xf32>
    %mul3A_430 = arith.constant 9.999000e+03 : f32
    %mul3A_431 = vector.broadcast %mul3A_430 : f32 to vector<16xf32>
    %mul3A_432 = arith.mulf %get3A_429, %mul3A_431 : vector<16xf32>
    %convert_element_type3A_433 = arith.fptosi %mul3A_432 : vector<16xf32> to vector<16xi32>
    %jit3A_434 = arith.constant 0 : i32
    %jit3A_435 = arith.constant 9999 : i32
    %max3A_436 = vector.broadcast %jit3A_434 : i32 to vector<16xi32>
    %max3A_437 = arith.maxsi %max3A_436, %convert_element_type3A_433 : vector<16xi32>
    %min3A_438 = vector.broadcast %jit3A_435 : i32 to vector<16xi32>
    %min3A_439 = arith.minsi %min3A_438, %max3A_437 : vector<16xi32>
    %swap3A_440 = arith.constant 4 : i32
    %swap3A_441 = arith.index_cast %swap3A_440 : i32 to index
    %swap3A_442 = arith.constant 0 : index
    %swap3A_443 = tpu.vector_load %arg6[%swap3A_441, %swap3A_442] {strides = array<i32>} : memref<8x64xi32, #tpu.memory_space<vmem>>, vector<1x16xi32>,
    %swap3A_444 = vector.shape_cast %swap3A_443 : vector<1x16xi32> to vector<16xi32>
    %swap3A_445 = vector.shape_cast %min3A_439 : vector<16xi32> to vector<1x16xi32>
    tpu.vector_store %arg6[%swap3A_441, %swap3A_442], %swap3A_445 {strides = array<i32>} : memref<8x64xi32, #tpu.memory_space<vmem>>, vector<1x16xi32>,
    %get3A_446 = arith.constant 272 : index
    %get3A_447 = tpu.vector_load %arg5[%get3A_446] {strides = array<i32>} : memref<512xf32, #tpu.memory_space<vmem>>, vector<16xf32>,
    %get3A_448 = vector.shape_cast %get3A_447 : vector<16xf32> to vector<16xf32>
    %mul3A_449 = arith.constant 9.999000e+03 : f32
    %mul3A_450 = vector.broadcast %mul3A_449 : f32 to vector<16xf32>
    %mul3A_451 = arith.mulf %get3A_448, %mul3A_450 : vector<16xf32>
    %convert_element_type3A_452 = arith.fptosi %mul3A_451 : vector<16xf32> to vector<16xi32>
    %jit3A_453 = arith.constant 0 : i32
    %jit3A_454 = arith.constant 9999 : i32
    %max3A_455 = vector.broadcast %jit3A_453 : i32 to vector<16xi32>
    %max3A_456 = arith.maxsi %max3A_455, %convert_element_type3A_452 : vector<16xi32>
    %min3A_457 = vector.broadcast %jit3A_454 : i32 to vector<16xi32>
    %min3A_458 = arith.minsi %min3A_457, %max3A_456 : vector<16xi32>
    %swap3A_459 = arith.constant 4 : i32
    %swap3A_460 = arith.index_cast %swap3A_459 : i32 to index
    %swap3A_461 = arith.constant 16 : index
    %swap3A_462 = tpu.vector_load %arg6[%swap3A_460, %swap3A_461] {strides = array<i32>} : memref<8x64xi32, #tpu.memory_space<vmem>>, vector<1x16xi32>,
    %swap3A_463 = vector.shape_cast %swap3A_462 : vector<1x16xi32> to vector<16xi32>
    %swap3A_464 = vector.shape_cast %min3A_458 : vector<16xi32> to vector<1x16xi32>
    tpu.vector_store %arg6[%swap3A_460, %swap3A_461], %swap3A_464 {strides = array<i32>} : memref<8x64xi32, #tpu.memory_space<vmem>>, vector<1x16xi32>,
    %get3A_465 = arith.constant 288 : index
    %get3A_466 = tpu.vector_load %arg5[%get3A_465] {strides = array<i32>} : memref<512xf32, #tpu.memory_space<vmem>>, vector<16xf32>,
    %get3A_467 = vector.shape_cast %get3A_466 : vector<16xf32> to vector<16xf32>
    %mul3A_468 = arith.constant 9.999000e+03 : f32
    %mul3A_469 = vector.broadcast %mul3A_468 : f32 to vector<16xf32>
    %mul3A_470 = arith.mulf %get3A_467, %mul3A_469 : vector<16xf32>
    %convert_element_type3A_471 = arith.fptosi %mul3A_470 : vector<16xf32> to vector<16xi32>
    %jit3A_472 = arith.constant 0 : i32
    %jit3A_473 = arith.constant 9999 : i32
    %max3A_474 = vector.broadcast %jit3A_472 : i32 to vector<16xi32>
    %max3A_475 = arith.maxsi %max3A_474, %convert_element_type3A_471 : vector<16xi32>
    %min3A_476 = vector.broadcast %jit3A_473 : i32 to vector<16xi32>
    %min3A_477 = arith.minsi %min3A_476, %max3A_475 : vector<16xi32>
    %swap3A_478 = arith.constant 4 : i32
    %swap3A_479 = arith.index_cast %swap3A_478 : i32 to index
    %swap3A_480 = arith.constant 32 : index
    %swap3A_481 = tpu.vector_load %arg6[%swap3A_479, %swap3A_480] {strides = array<i32>} : memref<8x64xi32, #tpu.memory_space<vmem>>, vector<1x16xi32>,
    %swap3A_482 = vector.shape_cast %swap3A_481 : vector<1x16xi32> to vector<16xi32>
    %swap3A_483 = vector.shape_cast %min3A_477 : vector<16xi32> to vector<1x16xi32>
    tpu.vector_store %arg6[%swap3A_479, %swap3A_480], %swap3A_483 {strides = array<i32>} : memref<8x64xi32, #tpu.memory_space<vmem>>, vector<1x16xi32>,
    %get3A_484 = arith.constant 304 : index
    %get3A_485 = tpu.vector_load %arg5[%get3A_484] {strides = array<i32>} : memref<512xf32, #tpu.memory_space<vmem>>, vector<16xf32>,
    %get3A_486 = vector.shape_cast %get3A_485 : vector<16xf32> to vector<16xf32>
    %mul3A_487 = arith.constant 9.999000e+03 : f32
    %mul3A_488 = vector.broadcast %mul3A_487 : f32 to vector<16xf32>
    %mul3A_489 = arith.mulf %get3A_486, %mul3A_488 : vector<16xf32>
    %convert_element_type3A_490 = arith.fptosi %mul3A_489 : vector<16xf32> to vector<16xi32>
    %jit3A_491 = arith.constant 0 : i32
    %jit3A_492 = arith.constant 9999 : i32
    %max3A_493 = vector.broadcast %jit3A_491 : i32 to vector<16xi32>
    %max3A_494 = arith.maxsi %max3A_493, %convert_element_type3A_490 : vector<16xi32>
    %min3A_495 = vector.broadcast %jit3A_492 : i32 to vector<16xi32>
    %min3A_496 = arith.minsi %min3A_495, %max3A_494 : vector<16xi32>
    %swap3A_497 = arith.constant 4 : i32
    %swap3A_498 = arith.index_cast %swap3A_497 : i32 to index
    %swap3A_499 = arith.constant 48 : index
    %swap3A_500 = tpu.vector_load %arg6[%swap3A_498, %swap3A_499] {strides = array<i32>} : memref<8x64xi32, #tpu.memory_space<vmem>>, vector<1x16xi32>,
    %swap3A_501 = vector.shape_cast %swap3A_500 : vector<1x16xi32> to vector<16xi32>
    %swap3A_502 = vector.shape_cast %min3A_496 : vector<16xi32> to vector<1x16xi32>
    tpu.vector_store %arg6[%swap3A_498, %swap3A_499], %swap3A_502 {strides = array<i32>} : memref<8x64xi32, #tpu.memory_space<vmem>>, vector<1x16xi32>,
    %dma_start3A_503 = arith.constant 4 : i32
    %dma_start3A_504 = arith.constant 1 : i32
    %dma_start3A_505 = arith.constant 0 : i32
    %dma_start3A_506 = arith.constant 0 : i32
    %dma_start3A_507 = tpu.memref_slice %arg7[%dma_start3A_504, %dma_start3A_505, %dma_start3A_506] : memref<3x64x512xf32, #tpu.memory_space<vmem>> -> memref<1x64x512xf32, #tpu.memory_space<vmem>>
    %dma_start3A_508 = tpu.memref_squeeze %dma_start3A_507 : memref<1x64x512xf32, #tpu.memory_space<vmem>> -> memref<64x512xf32, #tpu.memory_space<vmem>>
    %dma_start3A_509 = arith.constant 0 : i32
    %dma_start3A_510 = tpu.memref_slice %arg6[%dma_start3A_503, %dma_start3A_509] : memref<8x64xi32, #tpu.memory_space<vmem>> -> memref<1x64xi32, #tpu.memory_space<vmem>>
    %dma_start3A_511 = tpu.memref_squeeze %dma_start3A_510 : memref<1x64xi32, #tpu.memory_space<vmem>> -> memref<64xi32, #tpu.memory_space<vmem>>
    %dma_start3A_512 = arith.constant 0 : i32
    %dma_start3A_513 = arith.constant 0 : i32
    %dma_start3A_514 = tpu.memref_slice %arg3[%dma_start3A_512, %dma_start3A_513] : memref<10000x512xf32, #tpu.memory_space<hbm>> -> memref<10000x512xf32, #tpu.memory_space<hbm>>
    tpu.enqueue_indirect_dma source(%dma_start3A_514 : memref<10000x512xf32, #tpu.memory_space<hbm>>) target(%dma_start3A_508 : memref<64x512xf32, #tpu.memory_space<vmem>>) offsets(%dma_start3A_511 : memref<64xi32, #tpu.memory_space<vmem>>) semaphore(%arg9 : memref<!tpu.dma_semaphore, #tpu.memory_space<semaphore_mem>>)
    %dma_wait3A_515 = arith.constant 2 : i32
    %dma_wait3A_516 = arith.constant 2 : i32
    %dma_wait3A_517 = arith.constant 0 : i32
    %dma_wait3A_518 = arith.constant 0 : i32
    %dma_wait3A_519 = tpu.memref_slice %arg7[%dma_wait3A_516, %dma_wait3A_517, %dma_wait3A_518] : memref<3x64x512xf32, #tpu.memory_space<vmem>> -> memref<1x64x512xf32, #tpu.memory_space<vmem>>
    %dma_wait3A_520 = tpu.memref_squeeze %dma_wait3A_519 : memref<1x64x512xf32, #tpu.memory_space<vmem>> -> memref<64x512xf32, #tpu.memory_space<vmem>>
    %dma_wait3A_521 = arith.constant 0 : i32
    %dma_wait3A_522 = tpu.memref_slice %arg6[%dma_wait3A_515, %dma_wait3A_521] : memref<8x64xi32, #tpu.memory_space<vmem>> -> memref<1x64xi32, #tpu.memory_space<vmem>>
    %dma_wait3A_523 = tpu.memref_squeeze %dma_wait3A_522 : memref<1x64xi32, #tpu.memory_space<vmem>> -> memref<64xi32, #tpu.memory_space<vmem>>
    %dma_wait3A_524 = arith.constant 0 : i32
    %dma_wait3A_525 = arith.constant 0 : i32
    %dma_wait3A_526 = tpu.memref_slice %arg3[%dma_wait3A_524, %dma_wait3A_525] : memref<10000x512xf32, #tpu.memory_space<hbm>> -> memref<10000x512xf32, #tpu.memory_space<hbm>>
    tpu.wait_indirect_dma semaphore(%arg10 : memref<!tpu.dma_semaphore, #tpu.memory_space<semaphore_mem>>) src(%dma_wait3A_526 : memref<10000x512xf32, #tpu.memory_space<hbm>>) dst(%dma_wait3A_520 : memref<64x512xf32, #tpu.memory_space<vmem>>)
    %add3A_527 = arith.constant 128 : i32
    %add3A_528 = arith.addi %mul3A_2, %add3A_527 : i32
    %dma_start3A_529 = arith.constant 2 : i32
    %dma_start3A_530 = arith.constant 0 : i32
    %dma_start3A_531 = arith.constant 0 : i32
    %dma_start3A_532 = tpu.memref_slice %arg7[%dma_start3A_529, %dma_start3A_530, %dma_start3A_531] : memref<3x64x512xf32, #tpu.memory_space<vmem>> -> memref<1x64x512xf32, #tpu.memory_space<vmem>>
    %dma_start3A_533 = tpu.memref_squeeze %dma_start3A_532 : memref<1x64x512xf32, #tpu.memory_space<vmem>> -> memref<64x512xf32, #tpu.memory_space<vmem>>
    %dma_start3A_534 = arith.constant 0 : i32
    %dma_start3A_535 = tpu.memref_slice %arg4[%add3A_528, %dma_start3A_534] : memref<16384x512xf32, #tpu.memory_space<hbm>> -> memref<64x512xf32, #tpu.memory_space<hbm>>
    %dma_start3A_536 = arith.constant 0 : i32
    %dma_start3A_537 = tpu.memref_slice %arg4[%add3A_528, %dma_start3A_536] : memref<16384x512xf32, #tpu.memory_space<hbm>> -> memref<64x512xf32, #tpu.memory_space<hbm>>
    %dma_start3A_538 = arith.constant 0 : i32
    %dma_start3A_539 = arith.constant 0 : i32
    %dma_start3A_540 = tpu.memref_slice %arg7[%dma_start3A_529, %dma_start3A_538, %dma_start3A_539] : memref<3x64x512xf32, #tpu.memory_space<vmem>> -> memref<1x64x512xf32, #tpu.memory_space<vmem>>
    %dma_start3A_541 = tpu.memref_squeeze %dma_start3A_540 : memref<1x64x512xf32, #tpu.memory_space<vmem>> -> memref<64x512xf32, #tpu.memory_space<vmem>>
    tpu.enqueue_dma source(%dma_start3A_541 : memref<64x512xf32, #tpu.memory_space<vmem>>) target(%dma_start3A_537 : memref<64x512xf32, #tpu.memory_space<hbm>>) target_semaphore(%arg13 : memref<!tpu.dma_semaphore, #tpu.memory_space<semaphore_mem>>)
    %dma_wait3A_542 = arith.constant 2 : i32
    %dma_wait3A_543 = arith.constant 0 : i32
    %dma_wait3A_544 = arith.constant 0 : i32
    %dma_wait3A_545 = tpu.memref_slice %arg7[%dma_wait3A_542, %dma_wait3A_543, %dma_wait3A_544] : memref<3x64x512xf32, #tpu.memory_space<vmem>> -> memref<1x64x512xf32, #tpu.memory_space<vmem>>
    %dma_wait3A_546 = tpu.memref_squeeze %dma_wait3A_545 : memref<1x64x512xf32, #tpu.memory_space<vmem>> -> memref<64x512xf32, #tpu.memory_space<vmem>>
    %dma_wait3A_547 = arith.constant 0 : i32
    %dma_wait3A_548 = tpu.memref_slice %arg4[%add3A_528, %dma_wait3A_547] : memref<16384x512xf32, #tpu.memory_space<hbm>> -> memref<64x512xf32, #tpu.memory_space<hbm>>
    %dma_wait3A_549 = arith.constant 0 : i32
    %dma_wait3A_550 = tpu.memref_slice %arg4[%add3A_528, %dma_wait3A_549] : memref<16384x512xf32, #tpu.memory_space<hbm>> -> memref<64x512xf32, #tpu.memory_space<hbm>>
    %dma_wait3A_551 = arith.constant 0 : i32
    %dma_wait3A_552 = arith.constant 0 : i32
    %dma_wait3A_553 = tpu.memref_slice %arg7[%dma_wait3A_542, %dma_wait3A_551, %dma_wait3A_552] : memref<3x64x512xf32, #tpu.memory_space<vmem>> -> memref<1x64x512xf32, #tpu.memory_space<vmem>>
    %dma_wait3A_554 = tpu.memref_squeeze %dma_wait3A_553 : memref<1x64x512xf32, #tpu.memory_space<vmem>> -> memref<64x512xf32, #tpu.memory_space<vmem>>
    tpu.wait_dma2 semaphore(%arg13 : memref<!tpu.dma_semaphore, #tpu.memory_space<semaphore_mem>>) src(%dma_wait3A_554 : memref<64x512xf32, #tpu.memory_space<vmem>>) dst(%dma_wait3A_550 : memref<64x512xf32, #tpu.memory_space<hbm>>)
    %get3A_555 = arith.constant 320 : index
    %get3A_556 = tpu.vector_load %arg5[%get3A_555] {strides = array<i32>} : memref<512xf32, #tpu.memory_space<vmem>>, vector<16xf32>,
    %get3A_557 = vector.shape_cast %get3A_556 : vector<16xf32> to vector<16xf32>
    %mul3A_558 = arith.constant 9.999000e+03 : f32
    %mul3A_559 = vector.broadcast %mul3A_558 : f32 to vector<16xf32>
    %mul3A_560 = arith.mulf %get3A_557, %mul3A_559 : vector<16xf32>
    %convert_element_type3A_561 = arith.fptosi %mul3A_560 : vector<16xf32> to vector<16xi32>
    %jit3A_562 = arith.constant 0 : i32
    %jit3A_563 = arith.constant 9999 : i32
    %max3A_564 = vector.broadcast %jit3A_562 : i32 to vector<16xi32>
    %max3A_565 = arith.maxsi %max3A_564, %convert_element_type3A_561 : vector<16xi32>
    %min3A_566 = vector.broadcast %jit3A_563 : i32 to vector<16xi32>
    %min3A_567 = arith.minsi %min3A_566, %max3A_565 : vector<16xi32>
    %swap3A_568 = arith.constant 5 : i32
    %swap3A_569 = arith.index_cast %swap3A_568 : i32 to index
    %swap3A_570 = arith.constant 0 : index
    %swap3A_571 = tpu.vector_load %arg6[%swap3A_569, %swap3A_570] {strides = array<i32>} : memref<8x64xi32, #tpu.memory_space<vmem>>, vector<1x16xi32>,
    %swap3A_572 = vector.shape_cast %swap3A_571 : vector<1x16xi32> to vector<16xi32>
    %swap3A_573 = vector.shape_cast %min3A_567 : vector<16xi32> to vector<1x16xi32>
    tpu.vector_store %arg6[%swap3A_569, %swap3A_570], %swap3A_573 {strides = array<i32>} : memref<8x64xi32, #tpu.memory_space<vmem>>, vector<1x16xi32>,
    %get3A_574 = arith.constant 336 : index
    %get3A_575 = tpu.vector_load %arg5[%get3A_574] {strides = array<i32>} : memref<512xf32, #tpu.memory_space<vmem>>, vector<16xf32>,
    %get3A_576 = vector.shape_cast %get3A_575 : vector<16xf32> to vector<16xf32>
    %mul3A_577 = arith.constant 9.999000e+03 : f32
    %mul3A_578 = vector.broadcast %mul3A_577 : f32 to vector<16xf32>
    %mul3A_579 = arith.mulf %get3A_576, %mul3A_578 : vector<16xf32>
    %convert_element_type3A_580 = arith.fptosi %mul3A_579 : vector<16xf32> to vector<16xi32>
    %jit3A_581 = arith.constant 0 : i32
    %jit3A_582 = arith.constant 9999 : i32
    %max3A_583 = vector.broadcast %jit3A_581 : i32 to vector<16xi32>
    %max3A_584 = arith.maxsi %max3A_583, %convert_element_type3A_580 : vector<16xi32>
    %min3A_585 = vector.broadcast %jit3A_582 : i32 to vector<16xi32>
    %min3A_586 = arith.minsi %min3A_585, %max3A_584 : vector<16xi32>
    %swap3A_587 = arith.constant 5 : i32
    %swap3A_588 = arith.index_cast %swap3A_587 : i32 to index
    %swap3A_589 = arith.constant 16 : index
    %swap3A_590 = tpu.vector_load %arg6[%swap3A_588, %swap3A_589] {strides = array<i32>} : memref<8x64xi32, #tpu.memory_space<vmem>>, vector<1x16xi32>,
    %swap3A_591 = vector.shape_cast %swap3A_590 : vector<1x16xi32> to vector<16xi32>
    %swap3A_592 = vector.shape_cast %min3A_586 : vector<16xi32> to vector<1x16xi32>
    tpu.vector_store %arg6[%swap3A_588, %swap3A_589], %swap3A_592 {strides = array<i32>} : memref<8x64xi32, #tpu.memory_space<vmem>>, vector<1x16xi32>,
    %get3A_593 = arith.constant 352 : index
    %get3A_594 = tpu.vector_load %arg5[%get3A_593] {strides = array<i32>} : memref<512xf32, #tpu.memory_space<vmem>>, vector<16xf32>,
    %get3A_595 = vector.shape_cast %get3A_594 : vector<16xf32> to vector<16xf32>
    %mul3A_596 = arith.constant 9.999000e+03 : f32
    %mul3A_597 = vector.broadcast %mul3A_596 : f32 to vector<16xf32>
    %mul3A_598 = arith.mulf %get3A_595, %mul3A_597 : vector<16xf32>
    %convert_element_type3A_599 = arith.fptosi %mul3A_598 : vector<16xf32> to vector<16xi32>
    %jit3A_600 = arith.constant 0 : i32
    %jit3A_601 = arith.constant 9999 : i32
    %max3A_602 = vector.broadcast %jit3A_600 : i32 to vector<16xi32>
    %max3A_603 = arith.maxsi %max3A_602, %convert_element_type3A_599 : vector<16xi32>
    %min3A_604 = vector.broadcast %jit3A_601 : i32 to vector<16xi32>
    %min3A_605 = arith.minsi %min3A_604, %max3A_603 : vector<16xi32>
    %swap3A_606 = arith.constant 5 : i32
    %swap3A_607 = arith.index_cast %swap3A_606 : i32 to index
    %swap3A_608 = arith.constant 32 : index
    %swap3A_609 = tpu.vector_load %arg6[%swap3A_607, %swap3A_608] {strides = array<i32>} : memref<8x64xi32, #tpu.memory_space<vmem>>, vector<1x16xi32>,
    %swap3A_610 = vector.shape_cast %swap3A_609 : vector<1x16xi32> to vector<16xi32>
    %swap3A_611 = vector.shape_cast %min3A_605 : vector<16xi32> to vector<1x16xi32>
    tpu.vector_store %arg6[%swap3A_607, %swap3A_608], %swap3A_611 {strides = array<i32>} : memref<8x64xi32, #tpu.memory_space<vmem>>, vector<1x16xi32>,
    %get3A_612 = arith.constant 368 : index
    %get3A_613 = tpu.vector_load %arg5[%get3A_612] {strides = array<i32>} : memref<512xf32, #tpu.memory_space<vmem>>, vector<16xf32>,
    %get3A_614 = vector.shape_cast %get3A_613 : vector<16xf32> to vector<16xf32>
    %mul3A_615 = arith.constant 9.999000e+03 : f32
    %mul3A_616 = vector.broadcast %mul3A_615 : f32 to vector<16xf32>
    %mul3A_617 = arith.mulf %get3A_614, %mul3A_616 : vector<16xf32>
    %convert_element_type3A_618 = arith.fptosi %mul3A_617 : vector<16xf32> to vector<16xi32>
    %jit3A_619 = arith.constant 0 : i32
    %jit3A_620 = arith.constant 9999 : i32
    %max3A_621 = vector.broadcast %jit3A_619 : i32 to vector<16xi32>
    %max3A_622 = arith.maxsi %max3A_621, %convert_element_type3A_618 : vector<16xi32>
    %min3A_623 = vector.broadcast %jit3A_620 : i32 to vector<16xi32>
    %min3A_624 = arith.minsi %min3A_623, %max3A_622 : vector<16xi32>
    %swap3A_625 = arith.constant 5 : i32
    %swap3A_626 = arith.index_cast %swap3A_625 : i32 to index
    %swap3A_627 = arith.constant 48 : index
    %swap3A_628 = tpu.vector_load %arg6[%swap3A_626, %swap3A_627] {strides = array<i32>} : memref<8x64xi32, #tpu.memory_space<vmem>>, vector<1x16xi32>,
    %swap3A_629 = vector.shape_cast %swap3A_628 : vector<1x16xi32> to vector<16xi32>
    %swap3A_630 = vector.shape_cast %min3A_624 : vector<16xi32> to vector<1x16xi32>
    tpu.vector_store %arg6[%swap3A_626, %swap3A_627], %swap3A_630 {strides = array<i32>} : memref<8x64xi32, #tpu.memory_space<vmem>>, vector<1x16xi32>,
    %dma_start3A_631 = arith.constant 5 : i32
    %dma_start3A_632 = arith.constant 2 : i32
    %dma_start3A_633 = arith.constant 0 : i32
    %dma_start3A_634 = arith.constant 0 : i32
    %dma_start3A_635 = tpu.memref_slice %arg7[%dma_start3A_632, %dma_start3A_633, %dma_start3A_634] : memref<3x64x512xf32, #tpu.memory_space<vmem>> -> memref<1x64x512xf32, #tpu.memory_space<vmem>>
    %dma_start3A_636 = tpu.memref_squeeze %dma_start3A_635 : memref<1x64x512xf32, #tpu.memory_space<vmem>> -> memref<64x512xf32, #tpu.memory_space<vmem>>
    %dma_start3A_637 = arith.constant 0 : i32
    %dma_start3A_638 = tpu.memref_slice %arg6[%dma_start3A_631, %dma_start3A_637] : memref<8x64xi32, #tpu.memory_space<vmem>> -> memref<1x64xi32, #tpu.memory_space<vmem>>
    %dma_start3A_639 = tpu.memref_squeeze %dma_start3A_638 : memref<1x64xi32, #tpu.memory_space<vmem>> -> memref<64xi32, #tpu.memory_space<vmem>>
    %dma_start3A_640 = arith.constant 0 : i32
    %dma_start3A_641 = arith.constant 0 : i32
    %dma_start3A_642 = tpu.memref_slice %arg3[%dma_start3A_640, %dma_start3A_641] : memref<10000x512xf32, #tpu.memory_space<hbm>> -> memref<10000x512xf32, #tpu.memory_space<hbm>>
    tpu.enqueue_indirect_dma source(%dma_start3A_642 : memref<10000x512xf32, #tpu.memory_space<hbm>>) target(%dma_start3A_636 : memref<64x512xf32, #tpu.memory_space<vmem>>) offsets(%dma_start3A_639 : memref<64xi32, #tpu.memory_space<vmem>>) semaphore(%arg10 : memref<!tpu.dma_semaphore, #tpu.memory_space<semaphore_mem>>)
    %dma_wait3A_643 = arith.constant 3 : i32
    %dma_wait3A_644 = arith.constant 0 : i32
    %dma_wait3A_645 = arith.constant 0 : i32
    %dma_wait3A_646 = arith.constant 0 : i32
    %dma_wait3A_647 = tpu.memref_slice %arg7[%dma_wait3A_644, %dma_wait3A_645, %dma_wait3A_646] : memref<3x64x512xf32, #tpu.memory_space<vmem>> -> memref<1x64x512xf32, #tpu.memory_space<vmem>>
    %dma_wait3A_648 = tpu.memref_squeeze %dma_wait3A_647 : memref<1x64x512xf32, #tpu.memory_space<vmem>> -> memref<64x512xf32, #tpu.memory_space<vmem>>
    %dma_wait3A_649 = arith.constant 0 : i32
    %dma_wait3A_650 = tpu.memref_slice %arg6[%dma_wait3A_643, %dma_wait3A_649] : memref<8x64xi32, #tpu.memory_space<vmem>> -> memref<1x64xi32, #tpu.memory_space<vmem>>
    %dma_wait3A_651 = tpu.memref_squeeze %dma_wait3A_650 : memref<1x64xi32, #tpu.memory_space<vmem>> -> memref<64xi32, #tpu.memory_space<vmem>>
    %dma_wait3A_652 = arith.constant 0 : i32
    %dma_wait3A_653 = arith.constant 0 : i32
    %dma_wait3A_654 = tpu.memref_slice %arg3[%dma_wait3A_652, %dma_wait3A_653] : memref<10000x512xf32, #tpu.memory_space<hbm>> -> memref<10000x512xf32, #tpu.memory_space<hbm>>
    tpu.wait_indirect_dma semaphore(%arg8 : memref<!tpu.dma_semaphore, #tpu.memory_space<semaphore_mem>>) src(%dma_wait3A_654 : memref<10000x512xf32, #tpu.memory_space<hbm>>) dst(%dma_wait3A_648 : memref<64x512xf32, #tpu.memory_space<vmem>>)
    %add3A_655 = arith.constant 192 : i32
    %add3A_656 = arith.addi %mul3A_2, %add3A_655 : i32
    %dma_start3A_657 = arith.constant 0 : i32
    %dma_start3A_658 = arith.constant 0 : i32
    %dma_start3A_659 = arith.constant 0 : i32
    %dma_start3A_660 = tpu.memref_slice %arg7[%dma_start3A_657, %dma_start3A_658, %dma_start3A_659] : memref<3x64x512xf32, #tpu.memory_space<vmem>> -> memref<1x64x512xf32, #tpu.memory_space<vmem>>
    %dma_start3A_661 = tpu.memref_squeeze %dma_start3A_660 : memref<1x64x512xf32, #tpu.memory_space<vmem>> -> memref<64x512xf32, #tpu.memory_space<vmem>>
    %dma_start3A_662 = arith.constant 0 : i32
    %dma_start3A_663 = tpu.memref_slice %arg4[%add3A_656, %dma_start3A_662] : memref<16384x512xf32, #tpu.memory_space<hbm>> -> memref<64x512xf32, #tpu.memory_space<hbm>>
    %dma_start3A_664 = arith.constant 0 : i32
    %dma_start3A_665 = tpu.memref_slice %arg4[%add3A_656, %dma_start3A_664] : memref<16384x512xf32, #tpu.memory_space<hbm>> -> memref<64x512xf32, #tpu.memory_space<hbm>>
    %dma_start3A_666 = arith.constant 0 : i32
    %dma_start3A_667 = arith.constant 0 : i32
    %dma_start3A_668 = tpu.memref_slice %arg7[%dma_start3A_657, %dma_start3A_666, %dma_start3A_667] : memref<3x64x512xf32, #tpu.memory_space<vmem>> -> memref<1x64x512xf32, #tpu.memory_space<vmem>>
    %dma_start3A_669 = tpu.memref_squeeze %dma_start3A_668 : memref<1x64x512xf32, #tpu.memory_space<vmem>> -> memref<64x512xf32, #tpu.memory_space<vmem>>
    tpu.enqueue_dma source(%dma_start3A_669 : memref<64x512xf32, #tpu.memory_space<vmem>>) target(%dma_start3A_665 : memref<64x512xf32, #tpu.memory_space<hbm>>) target_semaphore(%arg11 : memref<!tpu.dma_semaphore, #tpu.memory_space<semaphore_mem>>)
    %dma_wait3A_670 = arith.constant 0 : i32
    %dma_wait3A_671 = arith.constant 0 : i32
    %dma_wait3A_672 = arith.constant 0 : i32
    %dma_wait3A_673 = tpu.memref_slice %arg7[%dma_wait3A_670, %dma_wait3A_671, %dma_wait3A_672] : memref<3x64x512xf32, #tpu.memory_space<vmem>> -> memref<1x64x512xf32, #tpu.memory_space<vmem>>
    %dma_wait3A_674 = tpu.memref_squeeze %dma_wait3A_673 : memref<1x64x512xf32, #tpu.memory_space<vmem>> -> memref<64x512xf32, #tpu.memory_space<vmem>>
    %dma_wait3A_675 = arith.constant 0 : i32
    %dma_wait3A_676 = tpu.memref_slice %arg4[%add3A_656, %dma_wait3A_675] : memref<16384x512xf32, #tpu.memory_space<hbm>> -> memref<64x512xf32, #tpu.memory_space<hbm>>
    %dma_wait3A_677 = arith.constant 0 : i32
    %dma_wait3A_678 = tpu.memref_slice %arg4[%add3A_656, %dma_wait3A_677] : memref<16384x512xf32, #tpu.memory_space<hbm>> -> memref<64x512xf32, #tpu.memory_space<hbm>>
    %dma_wait3A_679 = arith.constant 0 : i32
    %dma_wait3A_680 = arith.constant 0 : i32
    %dma_wait3A_681 = tpu.memref_slice %arg7[%dma_wait3A_670, %dma_wait3A_679, %dma_wait3A_680] : memref<3x64x512xf32, #tpu.memory_space<vmem>> -> memref<1x64x512xf32, #tpu.memory_space<vmem>>
    %dma_wait3A_682 = tpu.memref_squeeze %dma_wait3A_681 : memref<1x64x512xf32, #tpu.memory_space<vmem>> -> memref<64x512xf32, #tpu.memory_space<vmem>>
    tpu.wait_dma2 semaphore(%arg11 : memref<!tpu.dma_semaphore, #tpu.memory_space<semaphore_mem>>) src(%dma_wait3A_682 : memref<64x512xf32, #tpu.memory_space<vmem>>) dst(%dma_wait3A_678 : memref<64x512xf32, #tpu.memory_space<hbm>>)
    %get3A_683 = arith.constant 384 : index
    %get3A_684 = tpu.vector_load %arg5[%get3A_683] {strides = array<i32>} : memref<512xf32, #tpu.memory_space<vmem>>, vector<16xf32>,
    %get3A_685 = vector.shape_cast %get3A_684 : vector<16xf32> to vector<16xf32>
    %mul3A_686 = arith.constant 9.999000e+03 : f32
    %mul3A_687 = vector.broadcast %mul3A_686 : f32 to vector<16xf32>
    %mul3A_688 = arith.mulf %get3A_685, %mul3A_687 : vector<16xf32>
    %convert_element_type3A_689 = arith.fptosi %mul3A_688 : vector<16xf32> to vector<16xi32>
    %jit3A_690 = arith.constant 0 : i32
    %jit3A_691 = arith.constant 9999 : i32
    %max3A_692 = vector.broadcast %jit3A_690 : i32 to vector<16xi32>
    %max3A_693 = arith.maxsi %max3A_692, %convert_element_type3A_689 : vector<16xi32>
    %min3A_694 = vector.broadcast %jit3A_691 : i32 to vector<16xi32>
    %min3A_695 = arith.minsi %min3A_694, %max3A_693 : vector<16xi32>
    %swap3A_696 = arith.constant 6 : i32
    %swap3A_697 = arith.index_cast %swap3A_696 : i32 to index
    %swap3A_698 = arith.constant 0 : index
    %swap3A_699 = tpu.vector_load %arg6[%swap3A_697, %swap3A_698] {strides = array<i32>} : memref<8x64xi32, #tpu.memory_space<vmem>>, vector<1x16xi32>,
    %swap3A_700 = vector.shape_cast %swap3A_699 : vector<1x16xi32> to vector<16xi32>
    %swap3A_701 = vector.shape_cast %min3A_695 : vector<16xi32> to vector<1x16xi32>
    tpu.vector_store %arg6[%swap3A_697, %swap3A_698], %swap3A_701 {strides = array<i32>} : memref<8x64xi32, #tpu.memory_space<vmem>>, vector<1x16xi32>,
    %get3A_702 = arith.constant 400 : index
    %get3A_703 = tpu.vector_load %arg5[%get3A_702] {strides = array<i32>} : memref<512xf32, #tpu.memory_space<vmem>>, vector<16xf32>,
    %get3A_704 = vector.shape_cast %get3A_703 : vector<16xf32> to vector<16xf32>
    %mul3A_705 = arith.constant 9.999000e+03 : f32
    %mul3A_706 = vector.broadcast %mul3A_705 : f32 to vector<16xf32>
    %mul3A_707 = arith.mulf %get3A_704, %mul3A_706 : vector<16xf32>
    %convert_element_type3A_708 = arith.fptosi %mul3A_707 : vector<16xf32> to vector<16xi32>
    %jit3A_709 = arith.constant 0 : i32
    %jit3A_710 = arith.constant 9999 : i32
    %max3A_711 = vector.broadcast %jit3A_709 : i32 to vector<16xi32>
    %max3A_712 = arith.maxsi %max3A_711, %convert_element_type3A_708 : vector<16xi32>
    %min3A_713 = vector.broadcast %jit3A_710 : i32 to vector<16xi32>
    %min3A_714 = arith.minsi %min3A_713, %max3A_712 : vector<16xi32>
    %swap3A_715 = arith.constant 6 : i32
    %swap3A_716 = arith.index_cast %swap3A_715 : i32 to index
    %swap3A_717 = arith.constant 16 : index
    %swap3A_718 = tpu.vector_load %arg6[%swap3A_716, %swap3A_717] {strides = array<i32>} : memref<8x64xi32, #tpu.memory_space<vmem>>, vector<1x16xi32>,
    %swap3A_719 = vector.shape_cast %swap3A_718 : vector<1x16xi32> to vector<16xi32>
    %swap3A_720 = vector.shape_cast %min3A_714 : vector<16xi32> to vector<1x16xi32>
    tpu.vector_store %arg6[%swap3A_716, %swap3A_717], %swap3A_720 {strides = array<i32>} : memref<8x64xi32, #tpu.memory_space<vmem>>, vector<1x16xi32>,
    %get3A_721 = arith.constant 416 : index
    %get3A_722 = tpu.vector_load %arg5[%get3A_721] {strides = array<i32>} : memref<512xf32, #tpu.memory_space<vmem>>, vector<16xf32>,
    %get3A_723 = vector.shape_cast %get3A_722 : vector<16xf32> to vector<16xf32>
    %mul3A_724 = arith.constant 9.999000e+03 : f32
    %mul3A_725 = vector.broadcast %mul3A_724 : f32 to vector<16xf32>
    %mul3A_726 = arith.mulf %get3A_723, %mul3A_725 : vector<16xf32>
    %convert_element_type3A_727 = arith.fptosi %mul3A_726 : vector<16xf32> to vector<16xi32>
    %jit3A_728 = arith.constant 0 : i32
    %jit3A_729 = arith.constant 9999 : i32
    %max3A_730 = vector.broadcast %jit3A_728 : i32 to vector<16xi32>
    %max3A_731 = arith.maxsi %max3A_730, %convert_element_type3A_727 : vector<16xi32>
    %min3A_732 = vector.broadcast %jit3A_729 : i32 to vector<16xi32>
    %min3A_733 = arith.minsi %min3A_732, %max3A_731 : vector<16xi32>
    %swap3A_734 = arith.constant 6 : i32
    %swap3A_735 = arith.index_cast %swap3A_734 : i32 to index
    %swap3A_736 = arith.constant 32 : index
    %swap3A_737 = tpu.vector_load %arg6[%swap3A_735, %swap3A_736] {strides = array<i32>} : memref<8x64xi32, #tpu.memory_space<vmem>>, vector<1x16xi32>,
    %swap3A_738 = vector.shape_cast %swap3A_737 : vector<1x16xi32> to vector<16xi32>
    %swap3A_739 = vector.shape_cast %min3A_733 : vector<16xi32> to vector<1x16xi32>
    tpu.vector_store %arg6[%swap3A_735, %swap3A_736], %swap3A_739 {strides = array<i32>} : memref<8x64xi32, #tpu.memory_space<vmem>>, vector<1x16xi32>,
    %get3A_740 = arith.constant 432 : index
    %get3A_741 = tpu.vector_load %arg5[%get3A_740] {strides = array<i32>} : memref<512xf32, #tpu.memory_space<vmem>>, vector<16xf32>,
    %get3A_742 = vector.shape_cast %get3A_741 : vector<16xf32> to vector<16xf32>
    %mul3A_743 = arith.constant 9.999000e+03 : f32
    %mul3A_744 = vector.broadcast %mul3A_743 : f32 to vector<16xf32>
    %mul3A_745 = arith.mulf %get3A_742, %mul3A_744 : vector<16xf32>
    %convert_element_type3A_746 = arith.fptosi %mul3A_745 : vector<16xf32> to vector<16xi32>
    %jit3A_747 = arith.constant 0 : i32
    %jit3A_748 = arith.constant 9999 : i32
    %max3A_749 = vector.broadcast %jit3A_747 : i32 to vector<16xi32>
    %max3A_750 = arith.maxsi %max3A_749, %convert_element_type3A_746 : vector<16xi32>
    %min3A_751 = vector.broadcast %jit3A_748 : i32 to vector<16xi32>
    %min3A_752 = arith.minsi %min3A_751, %max3A_750 : vector<16xi32>
    %swap3A_753 = arith.constant 6 : i32
    %swap3A_754 = arith.index_cast %swap3A_753 : i32 to index
    %swap3A_755 = arith.constant 48 : index
    %swap3A_756 = tpu.vector_load %arg6[%swap3A_754, %swap3A_755] {strides = array<i32>} : memref<8x64xi32, #tpu.memory_space<vmem>>, vector<1x16xi32>,
    %swap3A_757 = vector.shape_cast %swap3A_756 : vector<1x16xi32> to vector<16xi32>
    %swap3A_758 = vector.shape_cast %min3A_752 : vector<16xi32> to vector<1x16xi32>
    tpu.vector_store %arg6[%swap3A_754, %swap3A_755], %swap3A_758 {strides = array<i32>} : memref<8x64xi32, #tpu.memory_space<vmem>>, vector<1x16xi32>,
    %dma_start3A_759 = arith.constant 6 : i32
    %dma_start3A_760 = arith.constant 0 : i32
    %dma_start3A_761 = arith.constant 0 : i32
    %dma_start3A_762 = arith.constant 0 : i32
    %dma_start3A_763 = tpu.memref_slice %arg7[%dma_start3A_760, %dma_start3A_761, %dma_start3A_762] : memref<3x64x512xf32, #tpu.memory_space<vmem>> -> memref<1x64x512xf32, #tpu.memory_space<vmem>>
    %dma_start3A_764 = tpu.memref_squeeze %dma_start3A_763 : memref<1x64x512xf32, #tpu.memory_space<vmem>> -> memref<64x512xf32, #tpu.memory_space<vmem>>
    %dma_start3A_765 = arith.constant 0 : i32
    %dma_start3A_766 = tpu.memref_slice %arg6[%dma_start3A_759, %dma_start3A_765] : memref<8x64xi32, #tpu.memory_space<vmem>> -> memref<1x64xi32, #tpu.memory_space<vmem>>
    %dma_start3A_767 = tpu.memref_squeeze %dma_start3A_766 : memref<1x64xi32, #tpu.memory_space<vmem>> -> memref<64xi32, #tpu.memory_space<vmem>>
    %dma_start3A_768 = arith.constant 0 : i32
    %dma_start3A_769 = arith.constant 0 : i32
    %dma_start3A_770 = tpu.memref_slice %arg3[%dma_start3A_768, %dma_start3A_769] : memref<10000x512xf32, #tpu.memory_space<hbm>> -> memref<10000x512xf32, #tpu.memory_space<hbm>>
    tpu.enqueue_indirect_dma source(%dma_start3A_770 : memref<10000x512xf32, #tpu.memory_space<hbm>>) target(%dma_start3A_764 : memref<64x512xf32, #tpu.memory_space<vmem>>) offsets(%dma_start3A_767 : memref<64xi32, #tpu.memory_space<vmem>>) semaphore(%arg8 : memref<!tpu.dma_semaphore, #tpu.memory_space<semaphore_mem>>)
    %dma_wait3A_771 = arith.constant 4 : i32
    %dma_wait3A_772 = arith.constant 1 : i32
    %dma_wait3A_773 = arith.constant 0 : i32
    %dma_wait3A_774 = arith.constant 0 : i32
    %dma_wait3A_775 = tpu.memref_slice %arg7[%dma_wait3A_772, %dma_wait3A_773, %dma_wait3A_774] : memref<3x64x512xf32, #tpu.memory_space<vmem>> -> memref<1x64x512xf32, #tpu.memory_space<vmem>>
    %dma_wait3A_776 = tpu.memref_squeeze %dma_wait3A_775 : memref<1x64x512xf32, #tpu.memory_space<vmem>> -> memref<64x512xf32, #tpu.memory_space<vmem>>
    %dma_wait3A_777 = arith.constant 0 : i32
    %dma_wait3A_778 = tpu.memref_slice %arg6[%dma_wait3A_771, %dma_wait3A_777] : memref<8x64xi32, #tpu.memory_space<vmem>> -> memref<1x64xi32, #tpu.memory_space<vmem>>
    %dma_wait3A_779 = tpu.memref_squeeze %dma_wait3A_778 : memref<1x64xi32, #tpu.memory_space<vmem>> -> memref<64xi32, #tpu.memory_space<vmem>>
    %dma_wait3A_780 = arith.constant 0 : i32
    %dma_wait3A_781 = arith.constant 0 : i32
    %dma_wait3A_782 = tpu.memref_slice %arg3[%dma_wait3A_780, %dma_wait3A_781] : memref<10000x512xf32, #tpu.memory_space<hbm>> -> memref<10000x512xf32, #tpu.memory_space<hbm>>
    tpu.wait_indirect_dma semaphore(%arg9 : memref<!tpu.dma_semaphore, #tpu.memory_space<semaphore_mem>>) src(%dma_wait3A_782 : memref<10000x512xf32, #tpu.memory_space<hbm>>) dst(%dma_wait3A_776 : memref<64x512xf32, #tpu.memory_space<vmem>>)
    %add3A_783 = arith.constant 256 : i32
    %add3A_784 = arith.addi %mul3A_2, %add3A_783 : i32
    %dma_start3A_785 = arith.constant 1 : i32
    %dma_start3A_786 = arith.constant 0 : i32
    %dma_start3A_787 = arith.constant 0 : i32
    %dma_start3A_788 = tpu.memref_slice %arg7[%dma_start3A_785, %dma_start3A_786, %dma_start3A_787] : memref<3x64x512xf32, #tpu.memory_space<vmem>> -> memref<1x64x512xf32, #tpu.memory_space<vmem>>
    %dma_start3A_789 = tpu.memref_squeeze %dma_start3A_788 : memref<1x64x512xf32, #tpu.memory_space<vmem>> -> memref<64x512xf32, #tpu.memory_space<vmem>>
    %dma_start3A_790 = arith.constant 0 : i32
    %dma_start3A_791 = tpu.memref_slice %arg4[%add3A_784, %dma_start3A_790] : memref<16384x512xf32, #tpu.memory_space<hbm>> -> memref<64x512xf32, #tpu.memory_space<hbm>>
    %dma_start3A_792 = arith.constant 0 : i32
    %dma_start3A_793 = tpu.memref_slice %arg4[%add3A_784, %dma_start3A_792] : memref<16384x512xf32, #tpu.memory_space<hbm>> -> memref<64x512xf32, #tpu.memory_space<hbm>>
    %dma_start3A_794 = arith.constant 0 : i32
    %dma_start3A_795 = arith.constant 0 : i32
    %dma_start3A_796 = tpu.memref_slice %arg7[%dma_start3A_785, %dma_start3A_794, %dma_start3A_795] : memref<3x64x512xf32, #tpu.memory_space<vmem>> -> memref<1x64x512xf32, #tpu.memory_space<vmem>>
    %dma_start3A_797 = tpu.memref_squeeze %dma_start3A_796 : memref<1x64x512xf32, #tpu.memory_space<vmem>> -> memref<64x512xf32, #tpu.memory_space<vmem>>
    tpu.enqueue_dma source(%dma_start3A_797 : memref<64x512xf32, #tpu.memory_space<vmem>>) target(%dma_start3A_793 : memref<64x512xf32, #tpu.memory_space<hbm>>) target_semaphore(%arg12 : memref<!tpu.dma_semaphore, #tpu.memory_space<semaphore_mem>>)
    %dma_wait3A_798 = arith.constant 1 : i32
    %dma_wait3A_799 = arith.constant 0 : i32
    %dma_wait3A_800 = arith.constant 0 : i32
    %dma_wait3A_801 = tpu.memref_slice %arg7[%dma_wait3A_798, %dma_wait3A_799, %dma_wait3A_800] : memref<3x64x512xf32, #tpu.memory_space<vmem>> -> memref<1x64x512xf32, #tpu.memory_space<vmem>>
    %dma_wait3A_802 = tpu.memref_squeeze %dma_wait3A_801 : memref<1x64x512xf32, #tpu.memory_space<vmem>> -> memref<64x512xf32, #tpu.memory_space<vmem>>
    %dma_wait3A_803 = arith.constant 0 : i32
    %dma_wait3A_804 = tpu.memref_slice %arg4[%add3A_784, %dma_wait3A_803] : memref<16384x512xf32, #tpu.memory_space<hbm>> -> memref<64x512xf32, #tpu.memory_space<hbm>>
    %dma_wait3A_805 = arith.constant 0 : i32
    %dma_wait3A_806 = tpu.memref_slice %arg4[%add3A_784, %dma_wait3A_805] : memref<16384x512xf32, #tpu.memory_space<hbm>> -> memref<64x512xf32, #tpu.memory_space<hbm>>
    %dma_wait3A_807 = arith.constant 0 : i32
    %dma_wait3A_808 = arith.constant 0 : i32
    %dma_wait3A_809 = tpu.memref_slice %arg7[%dma_wait3A_798, %dma_wait3A_807, %dma_wait3A_808] : memref<3x64x512xf32, #tpu.memory_space<vmem>> -> memref<1x64x512xf32, #tpu.memory_space<vmem>>
    %dma_wait3A_810 = tpu.memref_squeeze %dma_wait3A_809 : memref<1x64x512xf32, #tpu.memory_space<vmem>> -> memref<64x512xf32, #tpu.memory_space<vmem>>
    tpu.wait_dma2 semaphore(%arg12 : memref<!tpu.dma_semaphore, #tpu.memory_space<semaphore_mem>>) src(%dma_wait3A_810 : memref<64x512xf32, #tpu.memory_space<vmem>>) dst(%dma_wait3A_806 : memref<64x512xf32, #tpu.memory_space<hbm>>)
    %get3A_811 = arith.constant 448 : index
    %get3A_812 = tpu.vector_load %arg5[%get3A_811] {strides = array<i32>} : memref<512xf32, #tpu.memory_space<vmem>>, vector<16xf32>,
    %get3A_813 = vector.shape_cast %get3A_812 : vector<16xf32> to vector<16xf32>
    %mul3A_814 = arith.constant 9.999000e+03 : f32
    %mul3A_815 = vector.broadcast %mul3A_814 : f32 to vector<16xf32>
    %mul3A_816 = arith.mulf %get3A_813, %mul3A_815 : vector<16xf32>
    %convert_element_type3A_817 = arith.fptosi %mul3A_816 : vector<16xf32> to vector<16xi32>
    %jit3A_818 = arith.constant 0 : i32
    %jit3A_819 = arith.constant 9999 : i32
    %max3A_820 = vector.broadcast %jit3A_818 : i32 to vector<16xi32>
    %max3A_821 = arith.maxsi %max3A_820, %convert_element_type3A_817 : vector<16xi32>
    %min3A_822 = vector.broadcast %jit3A_819 : i32 to vector<16xi32>
    %min3A_823 = arith.minsi %min3A_822, %max3A_821 : vector<16xi32>
    %swap3A_824 = arith.constant 7 : i32
    %swap3A_825 = arith.index_cast %swap3A_824 : i32 to index
    %swap3A_826 = arith.constant 0 : index
    %swap3A_827 = tpu.vector_load %arg6[%swap3A_825, %swap3A_826] {strides = array<i32>} : memref<8x64xi32, #tpu.memory_space<vmem>>, vector<1x16xi32>,
    %swap3A_828 = vector.shape_cast %swap3A_827 : vector<1x16xi32> to vector<16xi32>
    %swap3A_829 = vector.shape_cast %min3A_823 : vector<16xi32> to vector<1x16xi32>
    tpu.vector_store %arg6[%swap3A_825, %swap3A_826], %swap3A_829 {strides = array<i32>} : memref<8x64xi32, #tpu.memory_space<vmem>>, vector<1x16xi32>,
    %get3A_830 = arith.constant 464 : index
    %get3A_831 = tpu.vector_load %arg5[%get3A_830] {strides = array<i32>} : memref<512xf32, #tpu.memory_space<vmem>>, vector<16xf32>,
    %get3A_832 = vector.shape_cast %get3A_831 : vector<16xf32> to vector<16xf32>
    %mul3A_833 = arith.constant 9.999000e+03 : f32
    %mul3A_834 = vector.broadcast %mul3A_833 : f32 to vector<16xf32>
    %mul3A_835 = arith.mulf %get3A_832, %mul3A_834 : vector<16xf32>
    %convert_element_type3A_836 = arith.fptosi %mul3A_835 : vector<16xf32> to vector<16xi32>
    %jit3A_837 = arith.constant 0 : i32
    %jit3A_838 = arith.constant 9999 : i32
    %max3A_839 = vector.broadcast %jit3A_837 : i32 to vector<16xi32>
    %max3A_840 = arith.maxsi %max3A_839, %convert_element_type3A_836 : vector<16xi32>
    %min3A_841 = vector.broadcast %jit3A_838 : i32 to vector<16xi32>
    %min3A_842 = arith.minsi %min3A_841, %max3A_840 : vector<16xi32>
    %swap3A_843 = arith.constant 7 : i32
    %swap3A_844 = arith.index_cast %swap3A_843 : i32 to index
    %swap3A_845 = arith.constant 16 : index
    %swap3A_846 = tpu.vector_load %arg6[%swap3A_844, %swap3A_845] {strides = array<i32>} : memref<8x64xi32, #tpu.memory_space<vmem>>, vector<1x16xi32>,
    %swap3A_847 = vector.shape_cast %swap3A_846 : vector<1x16xi32> to vector<16xi32>
    %swap3A_848 = vector.shape_cast %min3A_842 : vector<16xi32> to vector<1x16xi32>
    tpu.vector_store %arg6[%swap3A_844, %swap3A_845], %swap3A_848 {strides = array<i32>} : memref<8x64xi32, #tpu.memory_space<vmem>>, vector<1x16xi32>,
    %get3A_849 = arith.constant 480 : index
    %get3A_850 = tpu.vector_load %arg5[%get3A_849] {strides = array<i32>} : memref<512xf32, #tpu.memory_space<vmem>>, vector<16xf32>,
    %get3A_851 = vector.shape_cast %get3A_850 : vector<16xf32> to vector<16xf32>
    %mul3A_852 = arith.constant 9.999000e+03 : f32
    %mul3A_853 = vector.broadcast %mul3A_852 : f32 to vector<16xf32>
    %mul3A_854 = arith.mulf %get3A_851, %mul3A_853 : vector<16xf32>
    %convert_element_type3A_855 = arith.fptosi %mul3A_854 : vector<16xf32> to vector<16xi32>
    %jit3A_856 = arith.constant 0 : i32
    %jit3A_857 = arith.constant 9999 : i32
    %max3A_858 = vector.broadcast %jit3A_856 : i32 to vector<16xi32>
    %max3A_859 = arith.maxsi %max3A_858, %convert_element_type3A_855 : vector<16xi32>
    %min3A_860 = vector.broadcast %jit3A_857 : i32 to vector<16xi32>
    %min3A_861 = arith.minsi %min3A_860, %max3A_859 : vector<16xi32>
    %swap3A_862 = arith.constant 7 : i32
    %swap3A_863 = arith.index_cast %swap3A_862 : i32 to index
    %swap3A_864 = arith.constant 32 : index
    %swap3A_865 = tpu.vector_load %arg6[%swap3A_863, %swap3A_864] {strides = array<i32>} : memref<8x64xi32, #tpu.memory_space<vmem>>, vector<1x16xi32>,
    %swap3A_866 = vector.shape_cast %swap3A_865 : vector<1x16xi32> to vector<16xi32>
    %swap3A_867 = vector.shape_cast %min3A_861 : vector<16xi32> to vector<1x16xi32>
    tpu.vector_store %arg6[%swap3A_863, %swap3A_864], %swap3A_867 {strides = array<i32>} : memref<8x64xi32, #tpu.memory_space<vmem>>, vector<1x16xi32>,
    %get3A_868 = arith.constant 496 : index
    %get3A_869 = tpu.vector_load %arg5[%get3A_868] {strides = array<i32>} : memref<512xf32, #tpu.memory_space<vmem>>, vector<16xf32>,
    %get3A_870 = vector.shape_cast %get3A_869 : vector<16xf32> to vector<16xf32>
    %mul3A_871 = arith.constant 9.999000e+03 : f32
    %mul3A_872 = vector.broadcast %mul3A_871 : f32 to vector<16xf32>
    %mul3A_873 = arith.mulf %get3A_870, %mul3A_872 : vector<16xf32>
    %convert_element_type3A_874 = arith.fptosi %mul3A_873 : vector<16xf32> to vector<16xi32>
    %jit3A_875 = arith.constant 0 : i32
    %jit3A_876 = arith.constant 9999 : i32
    %max3A_877 = vector.broadcast %jit3A_875 : i32 to vector<16xi32>
    %max3A_878 = arith.maxsi %max3A_877, %convert_element_type3A_874 : vector<16xi32>
    %min3A_879 = vector.broadcast %jit3A_876 : i32 to vector<16xi32>
    %min3A_880 = arith.minsi %min3A_879, %max3A_878 : vector<16xi32>
    %swap3A_881 = arith.constant 7 : i32
    %swap3A_882 = arith.index_cast %swap3A_881 : i32 to index
    %swap3A_883 = arith.constant 48 : index
    %swap3A_884 = tpu.vector_load %arg6[%swap3A_882, %swap3A_883] {strides = array<i32>} : memref<8x64xi32, #tpu.memory_space<vmem>>, vector<1x16xi32>,
    %swap3A_885 = vector.shape_cast %swap3A_884 : vector<1x16xi32> to vector<16xi32>
    %swap3A_886 = vector.shape_cast %min3A_880 : vector<16xi32> to vector<1x16xi32>
    tpu.vector_store %arg6[%swap3A_882, %swap3A_883], %swap3A_886 {strides = array<i32>} : memref<8x64xi32, #tpu.memory_space<vmem>>, vector<1x16xi32>,
    %dma_start3A_887 = arith.constant 7 : i32
    %dma_start3A_888 = arith.constant 1 : i32
    %dma_start3A_889 = arith.constant 0 : i32
    %dma_start3A_890 = arith.constant 0 : i32
    %dma_start3A_891 = tpu.memref_slice %arg7[%dma_start3A_888, %dma_start3A_889, %dma_start3A_890] : memref<3x64x512xf32, #tpu.memory_space<vmem>> -> memref<1x64x512xf32, #tpu.memory_space<vmem>>
    %dma_start3A_892 = tpu.memref_squeeze %dma_start3A_891 : memref<1x64x512xf32, #tpu.memory_space<vmem>> -> memref<64x512xf32, #tpu.memory_space<vmem>>
    %dma_start3A_893 = arith.constant 0 : i32
    %dma_start3A_894 = tpu.memref_slice %arg6[%dma_start3A_887, %dma_start3A_893] : memref<8x64xi32, #tpu.memory_space<vmem>> -> memref<1x64xi32, #tpu.memory_space<vmem>>
    %dma_start3A_895 = tpu.memref_squeeze %dma_start3A_894 : memref<1x64xi32, #tpu.memory_space<vmem>> -> memref<64xi32, #tpu.memory_space<vmem>>
    %dma_start3A_896 = arith.constant 0 : i32
    %dma_start3A_897 = arith.constant 0 : i32
    %dma_start3A_898 = tpu.memref_slice %arg3[%dma_start3A_896, %dma_start3A_897] : memref<10000x512xf32, #tpu.memory_space<hbm>> -> memref<10000x512xf32, #tpu.memory_space<hbm>>
    tpu.enqueue_indirect_dma source(%dma_start3A_898 : memref<10000x512xf32, #tpu.memory_space<hbm>>) target(%dma_start3A_892 : memref<64x512xf32, #tpu.memory_space<vmem>>) offsets(%dma_start3A_895 : memref<64xi32, #tpu.memory_space<vmem>>) semaphore(%arg9 : memref<!tpu.dma_semaphore, #tpu.memory_space<semaphore_mem>>)
    %dma_wait3A_899 = arith.constant 5 : i32
    %dma_wait3A_900 = arith.constant 2 : i32
    %dma_wait3A_901 = arith.constant 0 : i32
    %dma_wait3A_902 = arith.constant 0 : i32
    %dma_wait3A_903 = tpu.memref_slice %arg7[%dma_wait3A_900, %dma_wait3A_901, %dma_wait3A_902] : memref<3x64x512xf32, #tpu.memory_space<vmem>> -> memref<1x64x512xf32, #tpu.memory_space<vmem>>
    %dma_wait3A_904 = tpu.memref_squeeze %dma_wait3A_903 : memref<1x64x512xf32, #tpu.memory_space<vmem>> -> memref<64x512xf32, #tpu.memory_space<vmem>>
    %dma_wait3A_905 = arith.constant 0 : i32
    %dma_wait3A_906 = tpu.memref_slice %arg6[%dma_wait3A_899, %dma_wait3A_905] : memref<8x64xi32, #tpu.memory_space<vmem>> -> memref<1x64xi32, #tpu.memory_space<vmem>>
    %dma_wait3A_907 = tpu.memref_squeeze %dma_wait3A_906 : memref<1x64xi32, #tpu.memory_space<vmem>> -> memref<64xi32, #tpu.memory_space<vmem>>
    %dma_wait3A_908 = arith.constant 0 : i32
    %dma_wait3A_909 = arith.constant 0 : i32
    %dma_wait3A_910 = tpu.memref_slice %arg3[%dma_wait3A_908, %dma_wait3A_909] : memref<10000x512xf32, #tpu.memory_space<hbm>> -> memref<10000x512xf32, #tpu.memory_space<hbm>>
    tpu.wait_indirect_dma semaphore(%arg10 : memref<!tpu.dma_semaphore, #tpu.memory_space<semaphore_mem>>) src(%dma_wait3A_910 : memref<10000x512xf32, #tpu.memory_space<hbm>>) dst(%dma_wait3A_904 : memref<64x512xf32, #tpu.memory_space<vmem>>)
    %add3A_911 = arith.constant 320 : i32
    %add3A_912 = arith.addi %mul3A_2, %add3A_911 : i32
    %dma_start3A_913 = arith.constant 2 : i32
    %dma_start3A_914 = arith.constant 0 : i32
    %dma_start3A_915 = arith.constant 0 : i32
    %dma_start3A_916 = tpu.memref_slice %arg7[%dma_start3A_913, %dma_start3A_914, %dma_start3A_915] : memref<3x64x512xf32, #tpu.memory_space<vmem>> -> memref<1x64x512xf32, #tpu.memory_space<vmem>>
    %dma_start3A_917 = tpu.memref_squeeze %dma_start3A_916 : memref<1x64x512xf32, #tpu.memory_space<vmem>> -> memref<64x512xf32, #tpu.memory_space<vmem>>
    %dma_start3A_918 = arith.constant 0 : i32
    %dma_start3A_919 = tpu.memref_slice %arg4[%add3A_912, %dma_start3A_918] : memref<16384x512xf32, #tpu.memory_space<hbm>> -> memref<64x512xf32, #tpu.memory_space<hbm>>
    %dma_start3A_920 = arith.constant 0 : i32
    %dma_start3A_921 = tpu.memref_slice %arg4[%add3A_912, %dma_start3A_920] : memref<16384x512xf32, #tpu.memory_space<hbm>> -> memref<64x512xf32, #tpu.memory_space<hbm>>
    %dma_start3A_922 = arith.constant 0 : i32
    %dma_start3A_923 = arith.constant 0 : i32
    %dma_start3A_924 = tpu.memref_slice %arg7[%dma_start3A_913, %dma_start3A_922, %dma_start3A_923] : memref<3x64x512xf32, #tpu.memory_space<vmem>> -> memref<1x64x512xf32, #tpu.memory_space<vmem>>
    %dma_start3A_925 = tpu.memref_squeeze %dma_start3A_924 : memref<1x64x512xf32, #tpu.memory_space<vmem>> -> memref<64x512xf32, #tpu.memory_space<vmem>>
    tpu.enqueue_dma source(%dma_start3A_925 : memref<64x512xf32, #tpu.memory_space<vmem>>) target(%dma_start3A_921 : memref<64x512xf32, #tpu.memory_space<hbm>>) target_semaphore(%arg13 : memref<!tpu.dma_semaphore, #tpu.memory_space<semaphore_mem>>)
    %dma_wait3A_926 = arith.constant 6 : i32
    %dma_wait3A_927 = arith.constant 0 : i32
    %dma_wait3A_928 = arith.constant 0 : i32
    %dma_wait3A_929 = arith.constant 0 : i32
    %dma_wait3A_930 = tpu.memref_slice %arg7[%dma_wait3A_927, %dma_wait3A_928, %dma_wait3A_929] : memref<3x64x512xf32, #tpu.memory_space<vmem>> -> memref<1x64x512xf32, #tpu.memory_space<vmem>>
    %dma_wait3A_931 = tpu.memref_squeeze %dma_wait3A_930 : memref<1x64x512xf32, #tpu.memory_space<vmem>> -> memref<64x512xf32, #tpu.memory_space<vmem>>
    %dma_wait3A_932 = arith.constant 0 : i32
    %dma_wait3A_933 = tpu.memref_slice %arg6[%dma_wait3A_926, %dma_wait3A_932] : memref<8x64xi32, #tpu.memory_space<vmem>> -> memref<1x64xi32, #tpu.memory_space<vmem>>
    %dma_wait3A_934 = tpu.memref_squeeze %dma_wait3A_933 : memref<1x64xi32, #tpu.memory_space<vmem>> -> memref<64xi32, #tpu.memory_space<vmem>>
    %dma_wait3A_935 = arith.constant 0 : i32
    %dma_wait3A_936 = arith.constant 0 : i32
    %dma_wait3A_937 = tpu.memref_slice %arg3[%dma_wait3A_935, %dma_wait3A_936] : memref<10000x512xf32, #tpu.memory_space<hbm>> -> memref<10000x512xf32, #tpu.memory_space<hbm>>
    tpu.wait_indirect_dma semaphore(%arg8 : memref<!tpu.dma_semaphore, #tpu.memory_space<semaphore_mem>>) src(%dma_wait3A_937 : memref<10000x512xf32, #tpu.memory_space<hbm>>) dst(%dma_wait3A_931 : memref<64x512xf32, #tpu.memory_space<vmem>>)
    %add3A_938 = arith.constant 384 : i32
    %add3A_939 = arith.addi %mul3A_2, %add3A_938 : i32
    %dma_start3A_940 = arith.constant 0 : i32
    %dma_start3A_941 = arith.constant 0 : i32
    %dma_start3A_942 = arith.constant 0 : i32
    %dma_start3A_943 = tpu.memref_slice %arg7[%dma_start3A_940, %dma_start3A_941, %dma_start3A_942] : memref<3x64x512xf32, #tpu.memory_space<vmem>> -> memref<1x64x512xf32, #tpu.memory_space<vmem>>
    %dma_start3A_944 = tpu.memref_squeeze %dma_start3A_943 : memref<1x64x512xf32, #tpu.memory_space<vmem>> -> memref<64x512xf32, #tpu.memory_space<vmem>>
    %dma_start3A_945 = arith.constant 0 : i32
    %dma_start3A_946 = tpu.memref_slice %arg4[%add3A_939, %dma_start3A_945] : memref<16384x512xf32, #tpu.memory_space<hbm>> -> memref<64x512xf32, #tpu.memory_space<hbm>>
    %dma_start3A_947 = arith.constant 0 : i32
    %dma_start3A_948 = tpu.memref_slice %arg4[%add3A_939, %dma_start3A_947] : memref<16384x512xf32, #tpu.memory_space<hbm>> -> memref<64x512xf32, #tpu.memory_space<hbm>>
    %dma_start3A_949 = arith.constant 0 : i32
    %dma_start3A_950 = arith.constant 0 : i32
    %dma_start3A_951 = tpu.memref_slice %arg7[%dma_start3A_940, %dma_start3A_949, %dma_start3A_950] : memref<3x64x512xf32, #tpu.memory_space<vmem>> -> memref<1x64x512xf32, #tpu.memory_space<vmem>>
    %dma_start3A_952 = tpu.memref_squeeze %dma_start3A_951 : memref<1x64x512xf32, #tpu.memory_space<vmem>> -> memref<64x512xf32, #tpu.memory_space<vmem>>
    tpu.enqueue_dma source(%dma_start3A_952 : memref<64x512xf32, #tpu.memory_space<vmem>>) target(%dma_start3A_948 : memref<64x512xf32, #tpu.memory_space<hbm>>) target_semaphore(%arg11 : memref<!tpu.dma_semaphore, #tpu.memory_space<semaphore_mem>>)
    %dma_wait3A_953 = arith.constant 7 : i32
    %dma_wait3A_954 = arith.constant 1 : i32
    %dma_wait3A_955 = arith.constant 0 : i32
    %dma_wait3A_956 = arith.constant 0 : i32
    %dma_wait3A_957 = tpu.memref_slice %arg7[%dma_wait3A_954, %dma_wait3A_955, %dma_wait3A_956] : memref<3x64x512xf32, #tpu.memory_space<vmem>> -> memref<1x64x512xf32, #tpu.memory_space<vmem>>
    %dma_wait3A_958 = tpu.memref_squeeze %dma_wait3A_957 : memref<1x64x512xf32, #tpu.memory_space<vmem>> -> memref<64x512xf32, #tpu.memory_space<vmem>>
    %dma_wait3A_959 = arith.constant 0 : i32
    %dma_wait3A_960 = tpu.memref_slice %arg6[%dma_wait3A_953, %dma_wait3A_959] : memref<8x64xi32, #tpu.memory_space<vmem>> -> memref<1x64xi32, #tpu.memory_space<vmem>>
    %dma_wait3A_961 = tpu.memref_squeeze %dma_wait3A_960 : memref<1x64xi32, #tpu.memory_space<vmem>> -> memref<64xi32, #tpu.memory_space<vmem>>
    %dma_wait3A_962 = arith.constant 0 : i32
    %dma_wait3A_963 = arith.constant 0 : i32
    %dma_wait3A_964 = tpu.memref_slice %arg3[%dma_wait3A_962, %dma_wait3A_963] : memref<10000x512xf32, #tpu.memory_space<hbm>> -> memref<10000x512xf32, #tpu.memory_space<hbm>>
    tpu.wait_indirect_dma semaphore(%arg9 : memref<!tpu.dma_semaphore, #tpu.memory_space<semaphore_mem>>) src(%dma_wait3A_964 : memref<10000x512xf32, #tpu.memory_space<hbm>>) dst(%dma_wait3A_958 : memref<64x512xf32, #tpu.memory_space<vmem>>)
    %add3A_965 = arith.constant 448 : i32
    %add3A_966 = arith.addi %mul3A_2, %add3A_965 : i32
    %dma_start3A_967 = arith.constant 1 : i32
    %dma_start3A_968 = arith.constant 0 : i32
    %dma_start3A_969 = arith.constant 0 : i32
    %dma_start3A_970 = tpu.memref_slice %arg7[%dma_start3A_967, %dma_start3A_968, %dma_start3A_969] : memref<3x64x512xf32, #tpu.memory_space<vmem>> -> memref<1x64x512xf32, #tpu.memory_space<vmem>>
    %dma_start3A_971 = tpu.memref_squeeze %dma_start3A_970 : memref<1x64x512xf32, #tpu.memory_space<vmem>> -> memref<64x512xf32, #tpu.memory_space<vmem>>
    %dma_start3A_972 = arith.constant 0 : i32
    %dma_start3A_973 = tpu.memref_slice %arg4[%add3A_966, %dma_start3A_972] : memref<16384x512xf32, #tpu.memory_space<hbm>> -> memref<64x512xf32, #tpu.memory_space<hbm>>
    %dma_start3A_974 = arith.constant 0 : i32
    %dma_start3A_975 = tpu.memref_slice %arg4[%add3A_966, %dma_start3A_974] : memref<16384x512xf32, #tpu.memory_space<hbm>> -> memref<64x512xf32, #tpu.memory_space<hbm>>
    %dma_start3A_976 = arith.constant 0 : i32
    %dma_start3A_977 = arith.constant 0 : i32
    %dma_start3A_978 = tpu.memref_slice %arg7[%dma_start3A_967, %dma_start3A_976, %dma_start3A_977] : memref<3x64x512xf32, #tpu.memory_space<vmem>> -> memref<1x64x512xf32, #tpu.memory_space<vmem>>
    %dma_start3A_979 = tpu.memref_squeeze %dma_start3A_978 : memref<1x64x512xf32, #tpu.memory_space<vmem>> -> memref<64x512xf32, #tpu.memory_space<vmem>>
    tpu.enqueue_dma source(%dma_start3A_979 : memref<64x512xf32, #tpu.memory_space<vmem>>) target(%dma_start3A_975 : memref<64x512xf32, #tpu.memory_space<hbm>>) target_semaphore(%arg12 : memref<!tpu.dma_semaphore, #tpu.memory_space<semaphore_mem>>)
    %dma_wait3A_980 = arith.constant 0 : i32
    %dma_wait3A_981 = arith.constant 0 : i32
    %dma_wait3A_982 = arith.constant 0 : i32
    %dma_wait3A_983 = tpu.memref_slice %arg7[%dma_wait3A_980, %dma_wait3A_981, %dma_wait3A_982] : memref<3x64x512xf32, #tpu.memory_space<vmem>> -> memref<1x64x512xf32, #tpu.memory_space<vmem>>
    %dma_wait3A_984 = tpu.memref_squeeze %dma_wait3A_983 : memref<1x64x512xf32, #tpu.memory_space<vmem>> -> memref<64x512xf32, #tpu.memory_space<vmem>>
    %dma_wait3A_985 = arith.constant 0 : i32
    %dma_wait3A_986 = tpu.memref_slice %arg4[%add3A_939, %dma_wait3A_985] : memref<16384x512xf32, #tpu.memory_space<hbm>> -> memref<64x512xf32, #tpu.memory_space<hbm>>
    %dma_wait3A_987 = arith.constant 0 : i32
    %dma_wait3A_988 = tpu.memref_slice %arg4[%add3A_939, %dma_wait3A_987] : memref<16384x512xf32, #tpu.memory_space<hbm>> -> memref<64x512xf32, #tpu.memory_space<hbm>>
    %dma_wait3A_989 = arith.constant 0 : i32
    %dma_wait3A_990 = arith.constant 0 : i32
    %dma_wait3A_991 = tpu.memref_slice %arg7[%dma_wait3A_980, %dma_wait3A_989, %dma_wait3A_990] : memref<3x64x512xf32, #tpu.memory_space<vmem>> -> memref<1x64x512xf32, #tpu.memory_space<vmem>>
    %dma_wait3A_992 = tpu.memref_squeeze %dma_wait3A_991 : memref<1x64x512xf32, #tpu.memory_space<vmem>> -> memref<64x512xf32, #tpu.memory_space<vmem>>
    tpu.wait_dma2 semaphore(%arg11 : memref<!tpu.dma_semaphore, #tpu.memory_space<semaphore_mem>>) src(%dma_wait3A_992 : memref<64x512xf32, #tpu.memory_space<vmem>>) dst(%dma_wait3A_988 : memref<64x512xf32, #tpu.memory_space<hbm>>)
    %dma_wait3A_993 = arith.constant 1 : i32
    %dma_wait3A_994 = arith.constant 0 : i32
    %dma_wait3A_995 = arith.constant 0 : i32
    %dma_wait3A_996 = tpu.memref_slice %arg7[%dma_wait3A_993, %dma_wait3A_994, %dma_wait3A_995] : memref<3x64x512xf32, #tpu.memory_space<vmem>> -> memref<1x64x512xf32, #tpu.memory_space<vmem>>
    %dma_wait3A_997 = tpu.memref_squeeze %dma_wait3A_996 : memref<1x64x512xf32, #tpu.memory_space<vmem>> -> memref<64x512xf32, #tpu.memory_space<vmem>>
    %dma_wait3A_998 = arith.constant 0 : i32
    %dma_wait3A_999 = tpu.memref_slice %arg4[%add3A_966, %dma_wait3A_998] : memref<16384x512xf32, #tpu.memory_space<hbm>> -> memref<64x512xf32, #tpu.memory_space<hbm>>
    %dma_wait3A_1000 = arith.constant 0 : i32
    %dma_wait3A_1001 = tpu.memref_slice %arg4[%add3A_966, %dma_wait3A_1000] : memref<16384x512xf32, #tpu.memory_space<hbm>> -> memref<64x512xf32, #tpu.memory_space<hbm>>
    %dma_wait3A_1002 = arith.constant 0 : i32
    %dma_wait3A_1003 = arith.constant 0 : i32
    %dma_wait3A_1004 = tpu.memref_slice %arg7[%dma_wait3A_993, %dma_wait3A_1002, %dma_wait3A_1003] : memref<3x64x512xf32, #tpu.memory_space<vmem>> -> memref<1x64x512xf32, #tpu.memory_space<vmem>>
    %dma_wait3A_1005 = tpu.memref_squeeze %dma_wait3A_1004 : memref<1x64x512xf32, #tpu.memory_space<vmem>> -> memref<64x512xf32, #tpu.memory_space<vmem>>
    tpu.wait_dma2 semaphore(%arg12 : memref<!tpu.dma_semaphore, #tpu.memory_space<semaphore_mem>>) src(%dma_wait3A_1005 : memref<64x512xf32, #tpu.memory_space<vmem>>) dst(%dma_wait3A_1001 : memref<64x512xf32, #tpu.memory_space<hbm>>)
    %dma_wait3A_1006 = arith.constant 2 : i32
    %dma_wait3A_1007 = arith.constant 0 : i32
    %dma_wait3A_1008 = arith.constant 0 : i32
    %dma_wait3A_1009 = tpu.memref_slice %arg7[%dma_wait3A_1006, %dma_wait3A_1007, %dma_wait3A_1008] : memref<3x64x512xf32, #tpu.memory_space<vmem>> -> memref<1x64x512xf32, #tpu.memory_space<vmem>>
    %dma_wait3A_1010 = tpu.memref_squeeze %dma_wait3A_1009 : memref<1x64x512xf32, #tpu.memory_space<vmem>> -> memref<64x512xf32, #tpu.memory_space<vmem>>
    %dma_wait3A_1011 = arith.constant 0 : i32
    %dma_wait3A_1012 = tpu.memref_slice %arg4[%add3A_912, %dma_wait3A_1011] : memref<16384x512xf32, #tpu.memory_space<hbm>> -> memref<64x512xf32, #tpu.memory_space<hbm>>
    %dma_wait3A_1013 = arith.constant 0 : i32
    %dma_wait3A_1014 = tpu.memref_slice %arg4[%add3A_912, %dma_wait3A_1013] : memref<16384x512xf32, #tpu.memory_space<hbm>> -> memref<64x512xf32, #tpu.memory_space<hbm>>
    %dma_wait3A_1015 = arith.constant 0 : i32
    %dma_wait3A_1016 = arith.constant 0 : i32
    %dma_wait3A_1017 = tpu.memref_slice %arg7[%dma_wait3A_1006, %dma_wait3A_1015, %dma_wait3A_1016] : memref<3x64x512xf32, #tpu.memory_space<vmem>> -> memref<1x64x512xf32, #tpu.memory_space<vmem>>
    %dma_wait3A_1018 = tpu.memref_squeeze %dma_wait3A_1017 : memref<1x64x512xf32, #tpu.memory_space<vmem>> -> memref<64x512xf32, #tpu.memory_space<vmem>>
    tpu.wait_dma2 semaphore(%arg13 : memref<!tpu.dma_semaphore, #tpu.memory_space<semaphore_mem>>) src(%dma_wait3A_1018 : memref<64x512xf32, #tpu.memory_space<vmem>>) dst(%dma_wait3A_1014 : memref<64x512xf32, #tpu.memory_space<hbm>>)
    return
  }
}

</mosaic_0001>

<sc_bundles>
// kernel: kernel.3.cloned.1.call-start
scs
__scs_entry_jumppad:
0x0: {  	(pc) =	sbr.rel $0x88, $3  }
0x1: {  	(tag) =	ssettag $0x0;
	lr =	simm.s32 $0x1  }
0x2: {  	[smem:$0x3F9F] =	sst lr;
	_ =	strace $0xD0000000  }
0x3: {  	_ = 	snop  }
0x4: {  	_ = 	snop  }
0x5: {  	_ = 	snop  }
0x6: {  	_ = 	snop  }
0x7: {  	_ = 	snop  }
__scs_overlays_trampoline_lowered:
0x8: {  	[smem:$0x3FAE] =	sst s0  }
0x9: {  	[smem:$0x3FAF] =	sst s1  }
0xa: {  	[smem:$0x3FB0] =	sst s2  }
0xb: {  	[smem:$0x3FB1] =	sst s3  }
0xc: {  	[smem:$0x3FB2] =	sst s4  }
0xd: {  	[smem:$0x3FB3] =	sst s5  }
0xe: {  	[smem:$0x3FB4] =	sst s6  }
0xf: {  	[smem:$0x3FB5] =	sst s7  }
0x10: {  	[smem:$0x3FB6] =	sst s8  }
0x11: {  	[smem:$0x3FB7] =	sst s9;
	s0 =	simm.s32 @!p0 $0x0  }
0x12: {  	s1 =	sld [smem:$0x3F9D];
	s0 =	simm.s32 @p0 $0x1  }
0x13: {  	[smem:$0x3FB8] =	sst s0;
	s0 =	simm.s32 @!p1 $0x0  }
0x14: {  	s2 =	sld [smem:$0x3F9C];
	s0 =	simm.s32 @p1 $0x1  }
0x15: {  	[smem:$0x3FB9] =	sst s0;
	s0 =	simm.s32 @!p2 $0x0  }
0x16: {  	s3 =	sld [smem:$0x3FDB];
	s0 =	simm.s32 @p2 $0x1  }
0x17: {  	s4 =	simm.s32 $0x1BF5;
	[smem:$0x3FBB] =	sst s0  }
0x18: {  	s0 =	sld [smem:$0x3F9E];
	_ =	swait.ge [sflag:s4], $0x0  }
0x19: {  	s7 =	sld [smem:$0x3F9F]  }
0x1a: {  	s8 =	sadd.s32 $0xFFFFE003, lr  }
0x1b: {  	s9 =	sadd.s32 $0xFFFFFEF7, lr;
	s5 =	simm.s32 $0xFFFFFFFF;
	p2 =	slt.u32 s8, $0xFFFFF086  }
0x1c: {  	p1 =	slt.u32 s9, $0xF7A;
	s5 =	simm.s32 @!p2 $0x0  }
0x1d: {  	s5 =	simm.s32 @p1 $0x1;
	p0 =	seq.s32 s7, s2  }
0x1e: {  	s7 =	smul.u32 @!p0 $0xF7A, s2;
	p2 =	seq.s32 @!p0 s5, $0x0  }
0x1f: {  	s9 =	smul.u32 $0xF7A, s1;
	s8 =	simm.s32 @!p0 $0x1BF5;
	p2 =	por !p2, p0  }
0x20: {  	[sflag:s8] =	ssyncset.s32 @!p0 $0xFFFFF086;
	s6 =	sadd.s32 @!p0 s3, s7;
	s7 =	simm.s32 @!p0 $0x108  }
0x21: {  	s3 =	sadd.s32 s3, s9;
	s6 =	sadd.s32 @!p0 $0x88, s6;
	s7 =	simm.s32 @p2 $0x1082  }
0x22: {  	[simem:s7], [sflag:s8] =	dma.local @!p0 [hbm:s6], $0xF7A  }
0x23: {  	s9 =	sor.u32 $0xD0000000, s2;
	s6 =	simm.s32 $0x108;
	_ =	swait.ge @!p0 [sflag:s8], $0x0  }
0x24: {  	s3 =	sadd.s32 $0x88, s3;
	s6 =	simm.s32 @!p1 $0x1082;
	[sflag:s4] =	ssyncset.s32 $0xFFFFF086  }
0x25: {  	[simem:s6], [sflag:s4] =	dma.local [hbm:s3], $0xF7A  }
0x26: {  	[smem:$0x3F9F] =	sst s1;
	(tag) =	ssettag s2;
	_ =	strace s9  }
0x27: {  	s1 =	sld [smem:$0x3FAF]  }
0x28: {  	s2 =	sld [smem:$0x3FB0]  }
0x29: {  	s4 =	sld [smem:$0x3FB2]  }
0x2a: {  	p0 =	seq.s32 s5, $0x0;
	s5 =	sld [smem:$0x3FB3]  }
0x2b: {  	s6 =	sld [smem:$0x3FB4]  }
0x2c: {  	s7 =	sld [smem:$0x3FB5]  }
0x2d: {  	s3 =	simm.s32 $0x108;
	s8 =	sld [smem:$0x3FB6]  }
0x2e: {  	s3 =	simm.s32 @!p0 $0x1082;
	s9 =	sld [smem:$0x3FB7]  }
0x2f: {  	lr =	sadd.s32 s0, s3;
	s0 =	sld [smem:$0x3FAE]  }
0x30: {  	s3 =	sld [smem:$0x3FB1]  }
0x31: {  	[smem:$0x3FBA] =	sst s10  }
0x32: {  	s10 =	sld [smem:$0x3FB8];
	_ =	sdelay $0x3  }
0x33: {  	p0 =	seq.s32 s10, $0x1;
	s10 =	sld [smem:$0x3FBA];
	_ =	sdelay $0x3  }
0x34: {  	[smem:$0x3FBA] =	sst s10  }
0x35: {  	s10 =	sld [smem:$0x3FB9];
	_ =	sdelay $0x3  }
0x36: {  	p1 =	seq.s32 s10, $0x1;
	s10 =	sld [smem:$0x3FBA];
	_ =	sdelay $0x3  }
0x37: {  	[smem:$0x3FBA] =	sst s10  }
0x38: {  	s10 =	sld [smem:$0x3FBB]  }
0x39: {  	_ = 	snop;
	(pc) =	sbr.ind lr, $3  }
0x3a: {  	_ = 	snop  }
0x3b: {  	_ = 	snop  }
0x3c: {  	p2 =	seq.s32 s10, $0x1;
	s10 =	sld [smem:$0x3FBA]  }
0x3d: {  	_ =	shalt  }
0x3e: {  	_ =	shalt  }
0x3f: {  	_ =	shalt  }
0x40: {  	_ =	shalt  }
0x41: {  	_ =	shalt  }
0x42: {  	_ =	shalt  }
0x43: {  	_ =	shalt  }
0x44: {  	_ =	shalt  }
0x45: {  	_ =	shalt  }
0x46: {  	_ =	shalt  }
0x47: {  	_ =	shalt  }
0x48: {  	_ =	shalt  }
0x49: {  	_ =	shalt  }
0x4a: {  	_ =	shalt  }
0x4b: {  	_ =	shalt  }
0x4c: {  	_ =	shalt  }
0x4d: {  	_ =	shalt  }
0x4e: {  	_ =	shalt  }
0x4f: {  	_ =	shalt  }
0x50: {  	_ =	shalt  }
0x51: {  	_ =	shalt  }
0x52: {  	_ =	shalt  }
0x53: {  	_ =	shalt  }
0x54: {  	_ =	shalt  }
0x55: {  	_ =	shalt  }
0x56: {  	_ =	shalt  }
0x57: {  	_ =	shalt  }
0x58: {  	_ =	shalt  }
0x59: {  	_ =	shalt  }
0x5a: {  	_ =	shalt  }
0x5b: {  	_ =	shalt  }
0x5c: {  	_ =	shalt  }
0x5d: {  	_ =	shalt  }
0x5e: {  	_ =	shalt  }
0x5f: {  	_ =	shalt  }
0x60: {  	_ =	shalt  }
0x61: {  	_ =	shalt  }
0x62: {  	_ =	shalt  }
0x63: {  	_ =	shalt  }
0x64: {  	_ =	shalt  }
0x65: {  	_ =	shalt  }
0x66: {  	_ =	shalt  }
0x67: {  	_ =	shalt  }
0x68: {  	_ =	shalt  }
0x69: {  	_ =	shalt  }
0x6a: {  	_ =	shalt  }
0x6b: {  	_ =	shalt  }
0x6c: {  	_ =	shalt  }
0x6d: {  	_ =	shalt  }
0x6e: {  	_ =	shalt  }
0x6f: {  	_ =	shalt  }
0x70: {  	_ =	shalt  }
0x71: {  	_ =	shalt  }
0x72: {  	_ =	shalt  }
0x73: {  	_ =	shalt  }
0x74: {  	_ =	shalt  }
0x75: {  	_ =	shalt  }
0x76: {  	_ =	shalt  }
0x77: {  	_ =	shalt  }
0x78: {  	_ =	shalt  }
0x79: {  	_ =	shalt  }
0x7a: {  	_ =	shalt  }
0x7b: {  	_ =	shalt  }
0x7c: {  	_ =	shalt  }
0x7d: {  	_ =	shalt  }
0x7e: {  	_ =	shalt  }
0x7f: {  	_ =	shalt  }
0x80: {  	_ =	shalt  }
0x81: {  	_ =	shalt  }
0x82: {  	_ =	shalt  }
0x83: {  	_ =	shalt  }
0x84: {  	_ =	shalt  }
0x85: {  	_ =	shalt  }
0x86: {  	_ =	shalt  }
0x87: {  	_ =	shalt  }
.Lfunc_end0:
.L_simem_size_0:
called_computation_lowered:
.L_overlay_start_0:
0x88: {  	s2 =	sld [smem:$0x3FD9]  }
0x89: {  	s3 =	sld [smem:$0x3FFE];
	_ =	sdelay $0x1  }
0x8a: {  	s1 =	srdreg.scid  }
0x8b: {  	s0 =	sand.u32 $0x1, s1  }
0x8c: {  	s18 =	sshll.u32 s0, $0xA;
	s2 =	sadd.s32 s3, s2  }
0x8d: {  	s2 =	sadd.s32 s2, s18  }
0x8e: {  	[smem:$0x3FC6] =	sst s2  }
0x8f: {  	_ = 	snop  }
0x90: {  	s2 =	sld [smem:$0x3FC9]  }
0x91: {  	s19 =	sld [smem:$0x3FC8]  }
0x92: {  	s4 =	sld [smem:$0x3FD0];
	(tm) =	ssettm $0x1  }
0x93: {  	s5 =	sld [smem:$0x3FFB];
	_ =	sdelay $0x3  }
0x94: {  	_ =	strace s5  }
0x95: {  	s5 =	sld [smem:$0x3FFC];
	_ =	sdelay $0x3  }
0x96: {  	_ =	strace s5  }
0x97: {  	s5 =	sld [smem:$0x3FFD];
	_ =	sdelay $0x3  }
0x98: {  	_ =	strace s5  }
0x99: {  	_ =	strace $0x8FFFFFFF  }
0x9a: {  	s20 =	sld [smem:$0x3FDB];
	_ =	sdelay $0x1  }
0x9b: {  	s6 =	simm.s32 $_scs_section_size  }
0x9c: {  	s7 =	simm.s32 $_size__tile_overlayer_lowered;
	s8 =	simm.s32 $_tile_overlayer_lowered  }
0x9d: {  	s23 =	simm.s32 $0x1BFF;
	s22 =	sshll.u32 s8, $0x1;
	s5 =	sadd.s32 s6, s20  }
0x9e: {  	s9 =	simm.s32 $0x0;
	s21 =	sshll.u32 s7, $0x1;
	s7 =	sadd.s32 s22, s5  }
0x9f: {  	[timem:s9], [sflag:s23] =	dma.local [hbm:s7], s21  }
0xa0: {  	_ =	swait.ge [sflag:s23], s21  }
0xa1: {  	s6 =	ssub.s32 $0x0, s21;
	[sflag:s23] =	ssyncset.done $0x0  }
0xa2: {  	[sflag:s23] =	ssyncadd.s32 s6;
	_ =	sdelay $0x1  }
0xa3: {  	s24 =	simm.s32 $0x1B8B  }
0xa4: {  	_ =	swait.ge [sflag:s24], $0x1  }
0xa5: {  	[sflag:s24] =	ssyncset.done $0x0  }
0xa6: {  	s25 =	simm.s32 $0x1B8E;
	[sflag:s24] =	ssyncadd.s32 $0xFFFFFFFF  }
0xa7: {  	s26 =	simm.s32 $execute0_lowered;
	[smem:$0x3FD2] =	sst s25  }
0xa8: {  	s6 =	sshll.u32 s26, $0x1;
	_ =	strace $0x80000046;
	[dreg:$0x1] =	wrdreg $0xFFFFFFFF  }
0xa9: {  	s28 =	simm.s32 $_size_execute0_lowered;
	s5 =	sadd.s32 s5, s6;
	[dreg:$0x0] =	wrdreg $0x0  }
0xaa: {  	s6 =	sshll.u32 s28, $0x1;
	[dreg:$0x2] =	wrdreg s5  }
0xab: {  	[dreg:$0x3] =	wrdreg s6  }
0xac: {  	[dreg:$0x4] =	wrdreg $0xC0  }
0xad: {  	_ =	task [dreg:s9], $0x5FFFF  }
0xae: {  	[dreg:$0x1] =	wrdreg $0xFFFFFFFF  }
0xaf: {  	[dreg:$0x0] =	wrdreg $0x60  }
0xb0: {  	[dreg:$0x2] =	wrdreg s2  }
0xb1: {  	[dreg:$0x3] =	wrdreg s19  }
0xb2: {  	[dreg:$0x4] =	wrdreg s4  }
0xb3: {  	[dreg:$0x5] =	wrdreg $0x9  }
0xb4: {  	_ =	task.clear_ibuf [dreg:s9], $0x6FFFF;
	_ =	strace $0x90000046  }
0xb5: {  	s29 =	simm.s32 $0x9;
	_ =	strace $0x80000048  }
0xb6: {  	_ =	swait.ge [sflag:s29], $0x1  }
0xb7: {  	[sflag:s29] =	ssyncadd.s32 $0xFFFFFFFF  }
0xb8: {  	_ =	strace $0x90000048  }
0xb9: {  	_ =	sfence  }
0xba: {  	s30 =	sld [smem:$0x0];
	_ =	sdelay $0x2  }
0xbb: {  	s31 =	sshll.u32 s1, $0xD;
	s1 =	sshrl.u32 s1, $0x2  }
0xbc: {  	s3 =	sand.u32 $0x4000, s31;
	s1 =	sadd.s32 s1, s30  }
0xbd: {  	s0 =	sor.u32 s3, s0;
	s1 =	sshll.u32 s1, $0x11  }
0xbe: {  	s0 =	sor.u32 s1, s0  }
0xbf: {  	s0 =	sadd.s32 $0x8F2B, s0  }
0xc0: {  	[sflag:s0] =	ssyncadd.remote.s32 $0x1  }
0xc1: {  	_ =	sfence.sel $0xFFFF  }
0xc2: {  	[dreg:$0x0] =	wrdreg $0xFFFFFFFF;
	(pc) =	sbr.abs _section_cstart, $3  }
0xc3: {  	[dreg:$0x1] =	wrdreg $0xFFFFFFFF  }
0xc4: {  	_ =	task.clear_ibuf [dreg:s9], $0x2FFFF;
	_ =	strace $0x9FFFFFFF  }
0xc5: {  	(tm) =	ssettm $0x7FFFFFFF  }
tec
execute0_lowered:
.L_overlay_start_1:
0x0: {  	(tag) =	ssettag $0x1  }
0x1: {  	s0 =	rddreg [dreg:$0x0];
	s1 =	srdreg.scid  }
0x2: {  	s2 =	rddreg [dreg:$0x1];
	s3 =	stileid.u32  }
0x3: {  	s4 =	rddreg [dreg:$0x2];
	s29 =	simm.s32 $0x600;
	s15 =	simm.s32 $0x1  }
0x4: {  	s16 =	simm.s32 $0x4;
	s17 =	simm.s32 $0x2;
	s30 =	simm.s32 $0x3E00  }
0x5: {  	s31 =	simm.s32 $0x4600;
	s8 =	simm.s32 $0x10E00;
	s13 =	simm.s32 $0x11600  }
0x6: {  	s14 =	simm.s32 $0x11E00;
	s7 =	simm.s32 $0x13600;
	s1 =	sand.u32 $0x1, s1  }
0x7: {  	s9 =	simm.s32 $0x13E00;
	s5 =	sshll.u32 s3, $0xA;
	s6 =	sshll.u32 s1, $0x9  }
0x8: {  	s10 =	simm.s32 $0x14600;
	s11 =	simm.s32 $0x14E00;
	s5 =	sor.u32 s6, s5  }
0x9: {  	s12 =	simm.s32 $0x15600;
	s3 =	simm.s32 $0x0;
	s6 =	sshrl.u32 s5, $0x3  }
0xa: {  	[smem:$0x7FF] =	sst s3;
	s5 =	sshll.u32 s5, $0x6;
	s0 =	sadd.s32 s0, s6  }
0xb: {  	_ =	strace $0x80000047;
	s18 =	sadd.s32 s4, s5;
	[dreg:$0x4] =	wrdreg s0  }
0xc: {  	s28 =	simm.s32 $0x17E00;
	s19 =	sadd.s32 $0x1000, s18;
	[dreg:$0xc] =	wrdreg s18  }
0xd: {  	s1 =	ssub.s32 $0x2, s1;
	s20 =	sadd.s32 $0x2000, s18;
	[dreg:$0x5] =	wrdreg s19  }
0xe: {  	s23 =	sshrl.u32 s1, $0x1;
	s21 =	sadd.s32 $0x3000, s18;
	[dreg:$0x6] =	wrdreg s20  }
0xf: {  	s1 =	ssub.s32 s1, s23;
	s22 =	sadd.s32 $0x4000, s18;
	[dreg:$0x7] =	wrdreg s21  }
0x10: {  	s23 =	simm.s32 $0x16600;
	s24 =	sadd.s32 $0x5000, s18;
	[dreg:$0x8] =	wrdreg s22  }
0x11: {  	s5 =	sadd.s32 $0x100, s2;
	s25 =	sadd.s32 $0x6000, s18;
	[dreg:$0x9] =	wrdreg s24  }
0x12: {  	s6 =	smax.u32 s1, $0x1;
	s26 =	sadd.s32 $0x7000, s18;
	[dreg:$0xa] =	wrdreg s25  }
0x13: {  	v2 =	vlaneseq.u32;
	s4 =	simm.s32 $0x12E00;
	s18 =	simm.s32 $0x5;
	[dreg:$0xb] =	wrdreg s26  }
0x14: {  	vm0 =	vmmov $0xffff;
	v1 =	vshrl.u32 v2, $0x3;
	s24 =	simm.s32 $0x8600;
	s19 =	simm.s32 $0x3;
	s20 =	simm.s32 $0x6  }
0x15: {  	v0 =	vand.u32 $0x7, v2;
	v2 =	vor.u32 $0x8, v2;
	v1 =	vmul.u32 $0x8, v1;
	s22 =	simm.s32 $0x15E00;
	s25 =	simm.s32 $0x16E00;
	s26 =	simm.s32 $0x17600  }
.LBB2_1:
0x16: {  	s21 =	rddreg [dreg:$0x4];
	s1 =	simm.s32 $0x7  }
0x17: {  	[tilespmem:s3], [sflag:$0x7] =	stream.linear.gather [hbm4b:s21+s3], $0x200, $0x38;
	[tilespmem:$0x18600] =	vst v63  }
0x18: {  	_ =	swait.ge [sflag:s1], $0x200  }
0x19: {  	[sflag:s1] =	ssyncset.done $0x0  }
0x1a: {  	[sflag:s1] =	ssyncadd.s32 $0xFFFFFE00  }
0x1b: {  	v3 =	vld [tilespmem:$0x0];
	_ =	sdelay $0x4  }
0x1c: {  	v3 =	vmul.f32 $9.999000000e+03, v3  }
0x1d: {  	v4 =	vld [tilespmem:$0x10]  }
0x1e: {  	v5 =	vld [tilespmem:$0x20];
	v3 =	vtrunc.f32 v3  }
0x1f: {  	v6 =	vld [tilespmem:$0x30];
	v3 =	vcvt.f32.s32 v3;
	_ =	sdelay $0x1  }
0x20: {  	vm1 =	vgt.s32 v3, $0x0  }
0x21: {  	v4 =	vmul.f32 $9.999000000e+03, v4;
	v3 =	vnsel vm1, $0x0, v3  }
0x22: {  	v5 =	vmul.f32 $9.999000000e+03, v5;
	v3 =	vmin.u32 v3, $0x270F  }
0x23: {  	v6 =	vmul.f32 $9.999000000e+03, v6;
	v4 =	vtrunc.f32 v4;
	v7 =	vshll.u32 v3, $0x2  }
0x24: {  	v5 =	vtrunc.f32 v5;
	v8 =	vand.u32 $0x7, v3;
	v7 =	vand.u32 $0xFFE0, v7  }
0x25: {  	v6 =	vtrunc.f32 v6;
	v4 =	vcvt.f32.s32 v4;
	v7 =	vor.u32 v8, v7  }
0x26: {  	v5 =	vcvt.f32.s32 v5;
	v8 =	vperm.xlane v7, v0  }
0x27: {  	v6 =	vcvt.f32.s32 v6;
	vm1 =	vgt.s32 v4, $0x0  }
0x28: {  	v4 =	vnsel vm1, $0x0, v4;
	vm1 =	vgt.s32 v5, $0x0;
	v8 =	vadd.s32 v1, v8  }
0x29: {  	[tilespmem:$0x200] =	vst v3;
	v3 =	vmin.u32 v4, $0x270F;
	v40 =	vnsel vm1, $0x0, v5;
	vm1 =	vgt.s32 v6, $0x0  }
0x2a: {  	[tilespmem:$0x210] =	vst v3;
	v3 =	vmin.u32 v40, $0x270F;
	v41 =	vnsel vm1, $0x0, v6;
	v42 =	vperm.xlane v7, v2  }
0x2b: {  	[tilespmem:$0x220] =	vst v3;
	v3 =	vmin.u32 v41, $0x270F  }
0x2c: {  	[tilespmem:$0x230] =	vst v3;
	v3 =	vadd.s32 v1, v42  }
0x2d: {  	[tilespmem:s29], [sflag:$0x1] =	stream.indirect_vreg.gather [hbm4b:s2+s3], $0x80, v8, vm0, $0xb8;
	[tilespmem:$0x18600] =	vst v63  }
0x2e: {  	s0 =	simm.s32 $0xE00  }
0x2f: {  	[tilespmem:s0], [sflag:$0x1] =	stream.indirect_vreg.gather [hbm4b:s5+s3], $0x80, v8, vm0, $0xb8;
	[tilespmem:$0x18600] =	vst v63  }
0x30: {  	s21 =	simm.s32 $0x1600  }
0x31: {  	[tilespmem:s21], [sflag:$0x1] =	stream.indirect_vreg.gather [hbm4b:s2+s3], $0x80, v3, vm0, $0xb8;
	[tilespmem:$0x18600] =	vst v63  }
0x32: {  	s1 =	simm.s32 $0x1E00  }
0x33: {  	[tilespmem:s1], [sflag:$0x1] =	stream.indirect_vreg.gather [hbm4b:s5+s3], $0x80, v3, vm0, $0xb8;
	[tilespmem:$0x18600] =	vst v63  }
0x34: {  	v3 =	vld [tilespmem:$0x210];
	_ =	sdelay $0x4  }
0x35: {  	v43 =	vshll.u32 v3, $0x2  }
0x36: {  	v3 =	vand.u32 $0x7, v3;
	v4 =	vand.u32 $0xFFFFFFE0, v43  }
0x37: {  	v3 =	vor.u32 v3, v4  }
0x38: {  	v4 =	vperm.xlane v3, v0;
	_ =	sdelay $0x1  }
0x39: {  	v4 =	vadd.s32 v1, v4;
	_ =	sdelay $0x1  }
0x3a: {  	v3 =	vperm.xlane v3, v2;
	_ =	sdelay $0x1  }
0x3b: {  	s21 =	simm.s32 $0x2600;
	v3 =	vadd.s32 v1, v3  }
0x3c: {  	[tilespmem:s21], [sflag:$0x1] =	stream.indirect_vreg.gather [hbm4b:s2+s3], $0x80, v4, vm0, $0xb8;
	[tilespmem:$0x18600] =	vst v63  }
0x3d: {  	s1 =	simm.s32 $0x2E00  }
0x3e: {  	[tilespmem:s1], [sflag:$0x1] =	stream.indirect_vreg.gather [hbm4b:s5+s3], $0x80, v4, vm0, $0xb8;
	[tilespmem:$0x18600] =	vst v63  }
0x3f: {  	s21 =	simm.s32 $0x3600  }
0x40: {  	[tilespmem:s21], [sflag:$0x1] =	stream.indirect_vreg.gather [hbm4b:s2+s3], $0x80, v3, vm0, $0xb8;
	[tilespmem:$0x18600] =	vst v63  }
0x41: {  	_ = 	snop  }
0x42: {  	[tilespmem:s30], [sflag:$0x1] =	stream.indirect_vreg.gather [hbm4b:s5+s3], $0x80, v3, vm0, $0xb8;
	[tilespmem:$0x18600] =	vst v63  }
0x43: {  	v3 =	vld [tilespmem:$0x220];
	_ =	sdelay $0x4  }
0x44: {  	v44 =	vshll.u32 v3, $0x2  }
0x45: {  	v3 =	vand.u32 $0x7, v3;
	v4 =	vand.u32 $0xFFFFFFE0, v44  }
0x46: {  	v3 =	vor.u32 v3, v4  }
0x47: {  	v4 =	vperm.xlane v3, v0;
	_ =	sdelay $0x1  }
0x48: {  	v4 =	vadd.s32 v1, v4;
	_ =	sdelay $0x1  }
0x49: {  	v3 =	vperm.xlane v3, v2;
	_ =	sdelay $0x1  }
0x4a: {  	v3 =	vadd.s32 v1, v3  }
0x4b: {  	[tilespmem:s31], [sflag:$0x1] =	stream.indirect_vreg.gather [hbm4b:s2+s3], $0x80, v4, vm0, $0xb8;
	[tilespmem:$0x18600] =	vst v63  }
0x4c: {  	s1 =	simm.s32 $0x4E00  }
0x4d: {  	[tilespmem:s1], [sflag:$0x1] =	stream.indirect_vreg.gather [hbm4b:s5+s3], $0x80, v4, vm0, $0xb8;
	[tilespmem:$0x18600] =	vst v63  }
0x4e: {  	s21 =	simm.s32 $0x5600  }
0x4f: {  	[tilespmem:s21], [sflag:$0x1] =	stream.indirect_vreg.gather [hbm4b:s2+s3], $0x80, v3, vm0, $0xb8;
	[tilespmem:$0x18600] =	vst v63  }
0x50: {  	s1 =	simm.s32 $0x5E00  }
0x51: {  	[tilespmem:s1], [sflag:$0x1] =	stream.indirect_vreg.gather [hbm4b:s5+s3], $0x80, v3, vm0, $0xb8;
	[tilespmem:$0x18600] =	vst v63  }
0x52: {  	v3 =	vld [tilespmem:$0x230];
	_ =	sdelay $0x4  }
0x53: {  	v45 =	vshll.u32 v3, $0x2  }
0x54: {  	v3 =	vand.u32 $0x7, v3;
	v4 =	vand.u32 $0xFFFFFFE0, v45  }
0x55: {  	v3 =	vor.u32 v3, v4  }
0x56: {  	v4 =	vperm.xlane v3, v0;
	_ =	sdelay $0x1  }
0x57: {  	v4 =	vadd.s32 v1, v4;
	_ =	sdelay $0x1  }
0x58: {  	v3 =	vperm.xlane v3, v2;
	_ =	sdelay $0x1  }
0x59: {  	s21 =	simm.s32 $0x6600;
	v3 =	vadd.s32 v1, v3  }
0x5a: {  	[tilespmem:s21], [sflag:$0x1] =	stream.indirect_vreg.gather [hbm4b:s2+s3], $0x80, v4, vm0, $0xb8;
	[tilespmem:$0x18600] =	vst v63  }
0x5b: {  	s1 =	simm.s32 $0x6E00  }
0x5c: {  	[tilespmem:s1], [sflag:$0x1] =	stream.indirect_vreg.gather [hbm4b:s5+s3], $0x80, v4, vm0, $0xb8;
	[tilespmem:$0x18600] =	vst v63  }
0x5d: {  	s21 =	simm.s32 $0x7600  }
0x5e: {  	[tilespmem:s21], [sflag:$0x1] =	stream.indirect_vreg.gather [hbm4b:s2+s3], $0x80, v3, vm0, $0xb8;
	[tilespmem:$0x18600] =	vst v63  }
0x5f: {  	s1 =	simm.s32 $0x7E00  }
0x60: {  	[tilespmem:s1], [sflag:$0x1] =	stream.indirect_vreg.gather [hbm4b:s5+s3], $0x80, v3, vm0, $0xb8;
	[tilespmem:$0x18600] =	vst v63  }
0x61: {  	v3 =	vld [tilespmem:$0x40];
	_ =	sdelay $0x4  }
0x62: {  	v3 =	vmul.f32 $9.999000000e+03, v3  }
0x63: {  	v4 =	vld [tilespmem:$0x50]  }
0x64: {  	v46 =	vld [tilespmem:$0x60];
	v3 =	vtrunc.f32 v3  }
0x65: {  	v47 =	vld [tilespmem:$0x70];
	v3 =	vcvt.f32.s32 v3;
	_ =	sdelay $0x1  }
0x66: {  	vm1 =	vgt.s32 v3, $0x0  }
0x67: {  	v4 =	vmul.f32 $9.999000000e+03, v4;
	v3 =	vnsel vm1, $0x0, v3  }
0x68: {  	v5 =	vmul.f32 $9.999000000e+03, v46;
	v3 =	vmin.u32 v3, $0x270F  }
0x69: {  	v6 =	vmul.f32 $9.999000000e+03, v47;
	v4 =	vtrunc.f32 v4;
	v48 =	vshll.u32 v3, $0x2  }
0x6a: {  	v5 =	vtrunc.f32 v5;
	v49 =	vand.u32 $0x7, v3;
	v7 =	vand.u32 $0xFFE0, v48  }
0x6b: {  	v6 =	vtrunc.f32 v6;
	v4 =	vcvt.f32.s32 v4;
	v7 =	vor.u32 v49, v7  }
0x6c: {  	v5 =	vcvt.f32.s32 v5;
	v8 =	vperm.xlane v7, v0  }
0x6d: {  	v6 =	vcvt.f32.s32 v6;
	vm1 =	vgt.s32 v4, $0x0  }
0x6e: {  	v4 =	vnsel vm1, $0x0, v4;
	vm1 =	vgt.s32 v5, $0x0;
	v8 =	vadd.s32 v1, v8  }
0x6f: {  	[tilespmem:$0x280] =	vst v3;
	v3 =	vmin.u32 v4, $0x270F;
	v50 =	vnsel vm1, $0x0, v5;
	vm1 =	vgt.s32 v6, $0x0  }
0x70: {  	[tilespmem:$0x290] =	vst v3;
	v3 =	vmin.u32 v50, $0x270F;
	v51 =	vnsel vm1, $0x0, v6;
	v52 =	vperm.xlane v7, v2  }
0x71: {  	[tilespmem:$0x2A0] =	vst v3;
	v3 =	vmin.u32 v51, $0x270F  }
0x72: {  	[tilespmem:$0x2B0] =	vst v3;
	v3 =	vadd.s32 v1, v52  }
0x73: {  	[tilespmem:s24], [sflag:$0x2] =	stream.indirect_vreg.gather [hbm4b:s2+s3], $0x80, v8, vm0, $0xb8;
	[tilespmem:$0x18600] =	vst v63  }
0x74: {  	s21 =	simm.s32 $0x8E00  }
0x75: {  	[tilespmem:s21], [sflag:$0x2] =	stream.indirect_vreg.gather [hbm4b:s5+s3], $0x80, v8, vm0, $0xb8;
	[tilespmem:$0x18600] =	vst v63  }
0x76: {  	s1 =	simm.s32 $0x9600  }
0x77: {  	[tilespmem:s1], [sflag:$0x2] =	stream.indirect_vreg.gather [hbm4b:s2+s3], $0x80, v3, vm0, $0xb8;
	[tilespmem:$0x18600] =	vst v63  }
0x78: {  	s21 =	simm.s32 $0x9E00  }
0x79: {  	[tilespmem:s21], [sflag:$0x2] =	stream.indirect_vreg.gather [hbm4b:s5+s3], $0x80, v3, vm0, $0xb8;
	[tilespmem:$0x18600] =	vst v63  }
0x7a: {  	v3 =	vld [tilespmem:$0x290];
	_ =	sdelay $0x4  }
0x7b: {  	v53 =	vshll.u32 v3, $0x2  }
0x7c: {  	v3 =	vand.u32 $0x7, v3;
	v4 =	vand.u32 $0xFFFFFFE0, v53  }
0x7d: {  	v3 =	vor.u32 v3, v4  }
0x7e: {  	v4 =	vperm.xlane v3, v0;
	_ =	sdelay $0x1  }
0x7f: {  	v4 =	vadd.s32 v1, v4;
	_ =	sdelay $0x1  }
0x80: {  	v3 =	vperm.xlane v3, v2;
	_ =	sdelay $0x1  }
0x81: {  	s1 =	simm.s32 $0xA600;
	v3 =	vadd.s32 v1, v3  }
0x82: {  	[tilespmem:s1], [sflag:$0x2] =	stream.indirect_vreg.gather [hbm4b:s2+s3], $0x80, v4, vm0, $0xb8;
	[tilespmem:$0x18600] =	vst v63  }
0x83: {  	s21 =	simm.s32 $0xAE00  }
0x84: {  	[tilespmem:s21], [sflag:$0x2] =	stream.indirect_vreg.gather [hbm4b:s5+s3], $0x80, v4, vm0, $0xb8;
	[tilespmem:$0x18600] =	vst v63  }
0x85: {  	s1 =	simm.s32 $0xB600  }
0x86: {  	[tilespmem:s1], [sflag:$0x2] =	stream.indirect_vreg.gather [hbm4b:s2+s3], $0x80, v3, vm0, $0xb8;
	[tilespmem:$0x18600] =	vst v63  }
0x87: {  	s21 =	simm.s32 $0xBE00  }
0x88: {  	[tilespmem:s21], [sflag:$0x2] =	stream.indirect_vreg.gather [hbm4b:s5+s3], $0x80, v3, vm0, $0xb8;
	[tilespmem:$0x18600] =	vst v63  }
0x89: {  	v3 =	vld [tilespmem:$0x2A0];
	_ =	sdelay $0x4  }
0x8a: {  	v54 =	vshll.u32 v3, $0x2  }
0x8b: {  	v3 =	vand.u32 $0x7, v3;
	v4 =	vand.u32 $0xFFFFFFE0, v54  }
0x8c: {  	v3 =	vor.u32 v3, v4  }
0x8d: {  	v4 =	vperm.xlane v3, v0;
	_ =	sdelay $0x1  }
0x8e: {  	v4 =	vadd.s32 v1, v4;
	_ =	sdelay $0x1  }
0x8f: {  	v3 =	vperm.xlane v3, v2;
	_ =	sdelay $0x1  }
0x90: {  	s1 =	simm.s32 $0xC600;
	v3 =	vadd.s32 v1, v3  }
0x91: {  	[tilespmem:s1], [sflag:$0x2] =	stream.indirect_vreg.gather [hbm4b:s2+s3], $0x80, v4, vm0, $0xb8;
	[tilespmem:$0x18600] =	vst v63  }
0x92: {  	s21 =	simm.s32 $0xCE00  }
0x93: {  	[tilespmem:s21], [sflag:$0x2] =	stream.indirect_vreg.gather [hbm4b:s5+s3], $0x80, v4, vm0, $0xb8;
	[tilespmem:$0x18600] =	vst v63  }
0x94: {  	s1 =	simm.s32 $0xD600  }
0x95: {  	[tilespmem:s1], [sflag:$0x2] =	stream.indirect_vreg.gather [hbm4b:s2+s3], $0x80, v3, vm0, $0xb8;
	[tilespmem:$0x18600] =	vst v63  }
0x96: {  	s21 =	simm.s32 $0xDE00  }
0x97: {  	[tilespmem:s21], [sflag:$0x2] =	stream.indirect_vreg.gather [hbm4b:s5+s3], $0x80, v3, vm0, $0xb8;
	[tilespmem:$0x18600] =	vst v63  }
0x98: {  	v3 =	vld [tilespmem:$0x2B0];
	_ =	sdelay $0x4  }
0x99: {  	v55 =	vshll.u32 v3, $0x2  }
0x9a: {  	v3 =	vand.u32 $0x7, v3;
	v4 =	vand.u32 $0xFFFFFFE0, v55  }
0x9b: {  	v3 =	vor.u32 v3, v4  }
0x9c: {  	v4 =	vperm.xlane v3, v0;
	_ =	sdelay $0x1  }
0x9d: {  	v4 =	vadd.s32 v1, v4;
	_ =	sdelay $0x1  }
0x9e: {  	v3 =	vperm.xlane v3, v2;
	_ =	sdelay $0x1  }
0x9f: {  	s1 =	simm.s32 $0xE600;
	v3 =	vadd.s32 v1, v3  }
0xa0: {  	[tilespmem:s1], [sflag:$0x2] =	stream.indirect_vreg.gather [hbm4b:s2+s3], $0x80, v4, vm0, $0xb8;
	[tilespmem:$0x18600] =	vst v63  }
0xa1: {  	s21 =	simm.s32 $0xEE00  }
0xa2: {  	[tilespmem:s21], [sflag:$0x2] =	stream.indirect_vreg.gather [hbm4b:s5+s3], $0x80, v4, vm0, $0xb8;
	[tilespmem:$0x18600] =	vst v63  }
0xa3: {  	s1 =	simm.s32 $0xF600  }
0xa4: {  	[tilespmem:s1], [sflag:$0x2] =	stream.indirect_vreg.gather [hbm4b:s2+s3], $0x80, v3, vm0, $0xb8;
	[tilespmem:$0x18600] =	vst v63  }
0xa5: {  	s21 =	simm.s32 $0xFE00  }
0xa6: {  	[tilespmem:s21], [sflag:$0x2] =	stream.indirect_vreg.gather [hbm4b:s5+s3], $0x80, v3, vm0, $0xb8;
	[tilespmem:$0x18600] =	vst v63  }
0xa7: {  	v3 =	vld [tilespmem:$0x80];
	_ =	sdelay $0x4  }
0xa8: {  	v3 =	vmul.f32 $9.999000000e+03, v3  }
0xa9: {  	v4 =	vld [tilespmem:$0x90]  }
0xaa: {  	v56 =	vld [tilespmem:$0xA0];
	v3 =	vtrunc.f32 v3  }
0xab: {  	v57 =	vld [tilespmem:$0xB0];
	v3 =	vcvt.f32.s32 v3;
	_ =	sdelay $0x1  }
0xac: {  	vm1 =	vgt.s32 v3, $0x0  }
0xad: {  	v4 =	vmul.f32 $9.999000000e+03, v4;
	v3 =	vnsel vm1, $0x0, v3  }
0xae: {  	v5 =	vmul.f32 $9.999000000e+03, v56;
	v3 =	vmin.u32 v3, $0x270F  }
0xaf: {  	v6 =	vmul.f32 $9.999000000e+03, v57;
	v4 =	vtrunc.f32 v4;
	v58 =	vshll.u32 v3, $0x2  }
0xb0: {  	v5 =	vtrunc.f32 v5;
	v59 =	vand.u32 $0x7, v3;
	v7 =	vand.u32 $0xFFE0, v58  }
0xb1: {  	v6 =	vtrunc.f32 v6;
	v4 =	vcvt.f32.s32 v4;
	v7 =	vor.u32 v59, v7  }
0xb2: {  	v5 =	vcvt.f32.s32 v5;
	v8 =	vperm.xlane v7, v0  }
0xb3: {  	v6 =	vcvt.f32.s32 v6;
	vm1 =	vgt.s32 v4, $0x0  }
0xb4: {  	v4 =	vnsel vm1, $0x0, v4;
	vm1 =	vgt.s32 v5, $0x0;
	v8 =	vadd.s32 v1, v8  }
0xb5: {  	[tilespmem:$0x300] =	vst v3;
	v3 =	vmin.u32 v4, $0x270F;
	v60 =	vnsel vm1, $0x0, v5;
	vm1 =	vgt.s32 v6, $0x0  }
0xb6: {  	[tilespmem:$0x310] =	vst v3;
	v3 =	vmin.u32 v60, $0x270F;
	v61 =	vnsel vm1, $0x0, v6;
	v62 =	vperm.xlane v7, v2  }
0xb7: {  	[tilespmem:$0x320] =	vst v3;
	v3 =	vmin.u32 v61, $0x270F  }
0xb8: {  	s0 =	simm.s32 $0x10600;
	[tilespmem:$0x330] =	vst v3;
	v3 =	vadd.s32 v1, v62  }
0xb9: {  	[tilespmem:s0], [sflag:$0x3] =	stream.indirect_vreg.gather [hbm4b:s2+s3], $0x80, v8, vm0, $0xb8;
	[tilespmem:$0x18600] =	vst v63  }
0xba: {  	_ = 	snop  }
0xbb: {  	[tilespmem:s8], [sflag:$0x3] =	stream.indirect_vreg.gather [hbm4b:s5+s3], $0x80, v8, vm0, $0xb8;
	[tilespmem:$0x18600] =	vst v63  }
0xbc: {  	_ = 	snop  }
0xbd: {  	[tilespmem:s13], [sflag:$0x3] =	stream.indirect_vreg.gather [hbm4b:s2+s3], $0x80, v3, vm0, $0xb8;
	[tilespmem:$0x18600] =	vst v63  }
0xbe: {  	_ = 	snop  }
0xbf: {  	[tilespmem:s14], [sflag:$0x3] =	stream.indirect_vreg.gather [hbm4b:s5+s3], $0x80, v3, vm0, $0xb8;
	[tilespmem:$0x18600] =	vst v63  }
0xc0: {  	v3 =	vld [tilespmem:$0x310];
	_ =	sdelay $0x4  }
0xc1: {  	v63 =	vshll.u32 v3, $0x2  }
0xc2: {  	v3 =	vand.u32 $0x7, v3;
	v4 =	vand.u32 $0xFFFFFFE0, v63  }
0xc3: {  	v3 =	vor.u32 v3, v4  }
0xc4: {  	v4 =	vperm.xlane v3, v0;
	_ =	sdelay $0x1  }
0xc5: {  	v4 =	vadd.s32 v1, v4;
	_ =	sdelay $0x1  }
0xc6: {  	v3 =	vperm.xlane v3, v2;
	_ =	sdelay $0x1  }
0xc7: {  	s1 =	simm.s32 $0x12600;
	v3 =	vadd.s32 v1, v3  }
0xc8: {  	[tilespmem:s1], [sflag:$0x3] =	stream.indirect_vreg.gather [hbm4b:s2+s3], $0x80, v4, vm0, $0xb8;
	[tilespmem:$0x18600] =	vst v63  }
0xc9: {  	_ = 	snop  }
0xca: {  	[tilespmem:s4], [sflag:$0x3] =	stream.indirect_vreg.gather [hbm4b:s5+s3], $0x80, v4, vm0, $0xb8;
	[tilespmem:$0x18600] =	vst v63  }
0xcb: {  	_ = 	snop  }
0xcc: {  	[tilespmem:s7], [sflag:$0x3] =	stream.indirect_vreg.gather [hbm4b:s2+s3], $0x80, v3, vm0, $0xb8;
	[tilespmem:$0x18600] =	vst v63  }
0xcd: {  	_ = 	snop  }
0xce: {  	[tilespmem:s9], [sflag:$0x3] =	stream.indirect_vreg.gather [hbm4b:s5+s3], $0x80, v3, vm0, $0xb8;
	[tilespmem:$0x18600] =	vst v63  }
0xcf: {  	v3 =	vld [tilespmem:$0x320];
	_ =	sdelay $0x4  }
0xd0: {  	v8 =	vshll.u32 v3, $0x2  }
0xd1: {  	v3 =	vand.u32 $0x7, v3;
	v4 =	vand.u32 $0xFFFFFFE0, v8  }
0xd2: {  	v3 =	vor.u32 v3, v4  }
0xd3: {  	v4 =	vperm.xlane v3, v0;
	_ =	sdelay $0x1  }
0xd4: {  	v4 =	vadd.s32 v1, v4;
	_ =	sdelay $0x1  }
0xd5: {  	v3 =	vperm.xlane v3, v2;
	_ =	sdelay $0x1  }
0xd6: {  	v3 =	vadd.s32 v1, v3  }
0xd7: {  	[tilespmem:s10], [sflag:$0x3] =	stream.indirect_vreg.gather [hbm4b:s2+s3], $0x80, v4, vm0, $0xb8;
	[tilespmem:$0x18600] =	vst v63  }
0xd8: {  	_ = 	snop  }
0xd9: {  	[tilespmem:s11], [sflag:$0x3] =	stream.indirect_vreg.gather [hbm4b:s5+s3], $0x80, v4, vm0, $0xb8;
	[tilespmem:$0x18600] =	vst v63  }
0xda: {  	_ = 	snop  }
0xdb: {  	[tilespmem:s12], [sflag:$0x3] =	stream.indirect_vreg.gather [hbm4b:s2+s3], $0x80, v3, vm0, $0xb8;
	[tilespmem:$0x18600] =	vst v63  }
0xdc: {  	_ = 	snop  }
0xdd: {  	[tilespmem:s22], [sflag:$0x3] =	stream.indirect_vreg.gather [hbm4b:s5+s3], $0x80, v3, vm0, $0xb8;
	[tilespmem:$0x18600] =	vst v63  }
0xde: {  	v3 =	vld [tilespmem:$0x330];
	_ =	sdelay $0x4  }
0xdf: {  	v9 =	vshll.u32 v3, $0x2  }
0xe0: {  	v3 =	vand.u32 $0x7, v3;
	v4 =	vand.u32 $0xFFFFFFE0, v9  }
0xe1: {  	v3 =	vor.u32 v3, v4  }
0xe2: {  	v4 =	vperm.xlane v3, v0;
	_ =	sdelay $0x1  }
0xe3: {  	v4 =	vadd.s32 v1, v4;
	_ =	sdelay $0x1  }
0xe4: {  	v3 =	vperm.xlane v3, v2;
	_ =	sdelay $0x1  }
0xe5: {  	v3 =	vadd.s32 v1, v3  }
0xe6: {  	[tilespmem:s23], [sflag:$0x3] =	stream.indirect_vreg.gather [hbm4b:s2+s3], $0x80, v4, vm0, $0xb8;
	[tilespmem:$0x18600] =	vst v63  }
0xe7: {  	_ = 	snop  }
0xe8: {  	[tilespmem:s25], [sflag:$0x3] =	stream.indirect_vreg.gather [hbm4b:s5+s3], $0x80, v4, vm0, $0xb8;
	[tilespmem:$0x18600] =	vst v63  }
0xe9: {  	_ = 	snop  }
0xea: {  	[tilespmem:s26], [sflag:$0x3] =	stream.indirect_vreg.gather [hbm4b:s2+s3], $0x80, v3, vm0, $0xb8;
	[tilespmem:$0x18600] =	vst v63  }
0xeb: {  	_ = 	snop  }
0xec: {  	[tilespmem:s28], [sflag:$0x3] =	stream.indirect_vreg.gather [hbm4b:s5+s3], $0x80, v3, vm0, $0xb8;
	[tilespmem:$0x18600] =	vst v63  }
0xed: {  	_ =	swait.ge [sflag:s15], $0x8000  }
0xee: {  	[sflag:s15] =	ssyncset.done $0x0  }
0xef: {  	s21 =	rddreg [dreg:$0xc];
	[sflag:s15] =	ssyncadd.s32 $0xFFFF8000  }
0xf0: {  	[hbm4b:s21+s3] =	stream.linear.scatter [tilespmem:s29], [sflag:$0x4], $0x8000, $0x38;
	[tilespmem:$0x18600] =	vst v63  }
0xf1: {  	_ =	swait.ge [sflag:s16], $0x8000  }
0xf2: {  	[sflag:s16] =	ssyncset.done $0x0  }
0xf3: {  	[sflag:s16] =	ssyncadd.s32 $0xFFFF8000  }
0xf4: {  	v3 =	vld [tilespmem:$0xC0];
	_ =	sdelay $0x4  }
0xf5: {  	v3 =	vmul.f32 $9.999000000e+03, v3  }
0xf6: {  	v10 =	vld [tilespmem:$0xD0]  }
0xf7: {  	v11 =	vld [tilespmem:$0xE0];
	v3 =	vtrunc.f32 v3  }
0xf8: {  	v12 =	vld [tilespmem:$0xF0];
	v3 =	vcvt.f32.s32 v3;
	_ =	sdelay $0x1  }
0xf9: {  	vm1 =	vgt.s32 v3, $0x0  }
0xfa: {  	v4 =	vmul.f32 $9.999000000e+03, v10;
	v3 =	vnsel vm1, $0x0, v3  }
0xfb: {  	v5 =	vmul.f32 $9.999000000e+03, v11;
	v3 =	vmin.u32 v3, $0x270F  }
0xfc: {  	v6 =	vmul.f32 $9.999000000e+03, v12;
	v4 =	vtrunc.f32 v4;
	v13 =	vshll.u32 v3, $0x2  }
0xfd: {  	v5 =	vtrunc.f32 v5;
	v14 =	vand.u32 $0x7, v3;
	v7 =	vand.u32 $0xFFE0, v13  }
0xfe: {  	v6 =	vtrunc.f32 v6;
	v4 =	vcvt.f32.s32 v4;
	v7 =	vor.u32 v14, v7  }
0xff: {  	v5 =	vcvt.f32.s32 v5;
	v8 =	vperm.xlane v7, v0  }
0x100: {  	v6 =	vcvt.f32.s32 v6;
	vm1 =	vgt.s32 v4, $0x0  }
0x101: {  	v4 =	vnsel vm1, $0x0, v4;
	vm1 =	vgt.s32 v5, $0x0;
	v8 =	vadd.s32 v1, v8  }
0x102: {  	[tilespmem:$0x380] =	vst v3;
	v3 =	vmin.u32 v4, $0x270F;
	v15 =	vnsel vm1, $0x0, v5;
	vm1 =	vgt.s32 v6, $0x0  }
0x103: {  	[tilespmem:$0x390] =	vst v3;
	v3 =	vmin.u32 v15, $0x270F;
	v16 =	vnsel vm1, $0x0, v6;
	v17 =	vperm.xlane v7, v2  }
0x104: {  	[tilespmem:$0x3A0] =	vst v3;
	v3 =	vmin.u32 v16, $0x270F  }
0x105: {  	[tilespmem:$0x3B0] =	vst v3;
	v3 =	vadd.s32 v1, v17  }
0x106: {  	[tilespmem:s29], [sflag:$0x1] =	stream.indirect_vreg.gather [hbm4b:s2+s3], $0x80, v8, vm0, $0xb8;
	[tilespmem:$0x18600] =	vst v63  }
0x107: {  	s21 =	simm.s32 $0xE00  }
0x108: {  	[tilespmem:s21], [sflag:$0x1] =	stream.indirect_vreg.gather [hbm4b:s5+s3], $0x80, v8, vm0, $0xb8;
	[tilespmem:$0x18600] =	vst v63  }
0x109: {  	s21 =	simm.s32 $0x1600  }
0x10a: {  	[tilespmem:s21], [sflag:$0x1] =	stream.indirect_vreg.gather [hbm4b:s2+s3], $0x80, v3, vm0, $0xb8;
	[tilespmem:$0x18600] =	vst v63  }
0x10b: {  	s21 =	simm.s32 $0x1E00  }
0x10c: {  	[tilespmem:s21], [sflag:$0x1] =	stream.indirect_vreg.gather [hbm4b:s5+s3], $0x80, v3, vm0, $0xb8;
	[tilespmem:$0x18600] =	vst v63  }
0x10d: {  	v3 =	vld [tilespmem:$0x390];
	_ =	sdelay $0x4  }
0x10e: {  	v18 =	vshll.u32 v3, $0x2  }
0x10f: {  	v3 =	vand.u32 $0x7, v3;
	v4 =	vand.u32 $0xFFFFFFE0, v18  }
0x110: {  	v3 =	vor.u32 v3, v4  }
0x111: {  	v4 =	vperm.xlane v3, v0;
	_ =	sdelay $0x1  }
0x112: {  	v4 =	vadd.s32 v1, v4;
	_ =	sdelay $0x1  }
0x113: {  	v3 =	vperm.xlane v3, v2;
	_ =	sdelay $0x1  }
0x114: {  	s21 =	simm.s32 $0x2600;
	v3 =	vadd.s32 v1, v3  }
0x115: {  	[tilespmem:s21], [sflag:$0x1] =	stream.indirect_vreg.gather [hbm4b:s2+s3], $0x80, v4, vm0, $0xb8;
	[tilespmem:$0x18600] =	vst v63  }
0x116: {  	s21 =	simm.s32 $0x2E00  }
0x117: {  	[tilespmem:s21], [sflag:$0x1] =	stream.indirect_vreg.gather [hbm4b:s5+s3], $0x80, v4, vm0, $0xb8;
	[tilespmem:$0x18600] =	vst v63  }
0x118: {  	s21 =	simm.s32 $0x3600  }
0x119: {  	[tilespmem:s21], [sflag:$0x1] =	stream.indirect_vreg.gather [hbm4b:s2+s3], $0x80, v3, vm0, $0xb8;
	[tilespmem:$0x18600] =	vst v63  }
0x11a: {  	_ = 	snop  }
0x11b: {  	[tilespmem:s30], [sflag:$0x1] =	stream.indirect_vreg.gather [hbm4b:s5+s3], $0x80, v3, vm0, $0xb8;
	[tilespmem:$0x18600] =	vst v63  }
0x11c: {  	v3 =	vld [tilespmem:$0x3A0];
	_ =	sdelay $0x4  }
0x11d: {  	v19 =	vshll.u32 v3, $0x2  }
0x11e: {  	v3 =	vand.u32 $0x7, v3;
	v4 =	vand.u32 $0xFFFFFFE0, v19  }
0x11f: {  	v3 =	vor.u32 v3, v4  }
0x120: {  	v4 =	vperm.xlane v3, v0;
	_ =	sdelay $0x1  }
0x121: {  	v4 =	vadd.s32 v1, v4;
	_ =	sdelay $0x1  }
0x122: {  	v3 =	vperm.xlane v3, v2;
	_ =	sdelay $0x1  }
0x123: {  	v3 =	vadd.s32 v1, v3  }
0x124: {  	[tilespmem:s31], [sflag:$0x1] =	stream.indirect_vreg.gather [hbm4b:s2+s3], $0x80, v4, vm0, $0xb8;
	[tilespmem:$0x18600] =	vst v63  }
0x125: {  	s21 =	simm.s32 $0x4E00  }
0x126: {  	[tilespmem:s21], [sflag:$0x1] =	stream.indirect_vreg.gather [hbm4b:s5+s3], $0x80, v4, vm0, $0xb8;
	[tilespmem:$0x18600] =	vst v63  }
0x127: {  	s21 =	simm.s32 $0x5600  }
0x128: {  	[tilespmem:s21], [sflag:$0x1] =	stream.indirect_vreg.gather [hbm4b:s2+s3], $0x80, v3, vm0, $0xb8;
	[tilespmem:$0x18600] =	vst v63  }
0x129: {  	s21 =	simm.s32 $0x5E00  }
0x12a: {  	[tilespmem:s21], [sflag:$0x1] =	stream.indirect_vreg.gather [hbm4b:s5+s3], $0x80, v3, vm0, $0xb8;
	[tilespmem:$0x18600] =	vst v63  }
0x12b: {  	v3 =	vld [tilespmem:$0x3B0];
	_ =	sdelay $0x4  }
0x12c: {  	v20 =	vshll.u32 v3, $0x2  }
0x12d: {  	v3 =	vand.u32 $0x7, v3;
	v4 =	vand.u32 $0xFFFFFFE0, v20  }
0x12e: {  	v3 =	vor.u32 v3, v4  }
0x12f: {  	v4 =	vperm.xlane v3, v0;
	_ =	sdelay $0x1  }
0x130: {  	v4 =	vadd.s32 v1, v4;
	_ =	sdelay $0x1  }
0x131: {  	v3 =	vperm.xlane v3, v2;
	_ =	sdelay $0x1  }
0x132: {  	s21 =	simm.s32 $0x6600;
	v3 =	vadd.s32 v1, v3  }
0x133: {  	[tilespmem:s21], [sflag:$0x1] =	stream.indirect_vreg.gather [hbm4b:s2+s3], $0x80, v4, vm0, $0xb8;
	[tilespmem:$0x18600] =	vst v63  }
0x134: {  	s21 =	simm.s32 $0x6E00  }
0x135: {  	[tilespmem:s21], [sflag:$0x1] =	stream.indirect_vreg.gather [hbm4b:s5+s3], $0x80, v4, vm0, $0xb8;
	[tilespmem:$0x18600] =	vst v63  }
0x136: {  	s21 =	simm.s32 $0x7600  }
0x137: {  	[tilespmem:s21], [sflag:$0x1] =	stream.indirect_vreg.gather [hbm4b:s2+s3], $0x80, v3, vm0, $0xb8;
	[tilespmem:$0x18600] =	vst v63  }
0x138: {  	s21 =	simm.s32 $0x7E00  }
0x139: {  	[tilespmem:s21], [sflag:$0x1] =	stream.indirect_vreg.gather [hbm4b:s5+s3], $0x80, v3, vm0, $0xb8;
	[tilespmem:$0x18600] =	vst v63  }
0x13a: {  	_ =	swait.ge [sflag:s17], $0x8000  }
0x13b: {  	[sflag:s17] =	ssyncset.done $0x0  }
0x13c: {  	s21 =	rddreg [dreg:$0x5];
	[sflag:s17] =	ssyncadd.s32 $0xFFFF8000  }
0x13d: {  	[hbm4b:s21+s3] =	stream.linear.scatter [tilespmem:s24], [sflag:$0x5], $0x8000, $0x38;
	[tilespmem:$0x18600] =	vst v63  }
0x13e: {  	_ =	swait.ge [sflag:s18], $0x8000  }
0x13f: {  	[sflag:s18] =	ssyncset.done $0x0  }
0x140: {  	[sflag:s18] =	ssyncadd.s32 $0xFFFF8000  }
0x141: {  	v3 =	vld [tilespmem:$0x100];
	_ =	sdelay $0x4  }
0x142: {  	v3 =	vmul.f32 $9.999000000e+03, v3  }
0x143: {  	v21 =	vld [tilespmem:$0x110]  }
0x144: {  	v22 =	vld [tilespmem:$0x120];
	v3 =	vtrunc.f32 v3  }
0x145: {  	v23 =	vld [tilespmem:$0x130];
	v3 =	vcvt.f32.s32 v3;
	_ =	sdelay $0x1  }
0x146: {  	vm1 =	vgt.s32 v3, $0x0  }
0x147: {  	v4 =	vmul.f32 $9.999000000e+03, v21;
	v3 =	vnsel vm1, $0x0, v3  }
0x148: {  	v5 =	vmul.f32 $9.999000000e+03, v22;
	v3 =	vmin.u32 v3, $0x270F  }
0x149: {  	v6 =	vmul.f32 $9.999000000e+03, v23;
	v4 =	vtrunc.f32 v4;
	v24 =	vshll.u32 v3, $0x2  }
0x14a: {  	v5 =	vtrunc.f32 v5;
	v25 =	vand.u32 $0x7, v3;
	v7 =	vand.u32 $0xFFE0, v24  }
0x14b: {  	v6 =	vtrunc.f32 v6;
	v4 =	vcvt.f32.s32 v4;
	v7 =	vor.u32 v25, v7  }
0x14c: {  	v5 =	vcvt.f32.s32 v5;
	v8 =	vperm.xlane v7, v0  }
0x14d: {  	v6 =	vcvt.f32.s32 v6;
	vm1 =	vgt.s32 v4, $0x0  }
0x14e: {  	v4 =	vnsel vm1, $0x0, v4;
	vm1 =	vgt.s32 v5, $0x0;
	v8 =	vadd.s32 v1, v8  }
0x14f: {  	[tilespmem:$0x400] =	vst v3;
	v3 =	vmin.u32 v4, $0x270F;
	v26 =	vnsel vm1, $0x0, v5;
	vm1 =	vgt.s32 v6, $0x0  }
0x150: {  	[tilespmem:$0x410] =	vst v3;
	v3 =	vmin.u32 v26, $0x270F;
	v27 =	vnsel vm1, $0x0, v6;
	v28 =	vperm.xlane v7, v2  }
0x151: {  	[tilespmem:$0x420] =	vst v3;
	v3 =	vmin.u32 v27, $0x270F  }
0x152: {  	[tilespmem:$0x430] =	vst v3;
	v3 =	vadd.s32 v1, v28  }
0x153: {  	[tilespmem:s24], [sflag:$0x2] =	stream.indirect_vreg.gather [hbm4b:s2+s3], $0x80, v8, vm0, $0xb8;
	[tilespmem:$0x18600] =	vst v63  }
0x154: {  	s21 =	simm.s32 $0x8E00  }
0x155: {  	[tilespmem:s21], [sflag:$0x2] =	stream.indirect_vreg.gather [hbm4b:s5+s3], $0x80, v8, vm0, $0xb8;
	[tilespmem:$0x18600] =	vst v63  }
0x156: {  	s21 =	simm.s32 $0x9600  }
0x157: {  	[tilespmem:s21], [sflag:$0x2] =	stream.indirect_vreg.gather [hbm4b:s2+s3], $0x80, v3, vm0, $0xb8;
	[tilespmem:$0x18600] =	vst v63  }
0x158: {  	s21 =	simm.s32 $0x9E00  }
0x159: {  	[tilespmem:s21], [sflag:$0x2] =	stream.indirect_vreg.gather [hbm4b:s5+s3], $0x80, v3, vm0, $0xb8;
	[tilespmem:$0x18600] =	vst v63  }
0x15a: {  	v3 =	vld [tilespmem:$0x410];
	_ =	sdelay $0x4  }
0x15b: {  	v29 =	vshll.u32 v3, $0x2  }
0x15c: {  	v3 =	vand.u32 $0x7, v3;
	v4 =	vand.u32 $0xFFFFFFE0, v29  }
0x15d: {  	v3 =	vor.u32 v3, v4  }
0x15e: {  	v4 =	vperm.xlane v3, v0;
	_ =	sdelay $0x1  }
0x15f: {  	v4 =	vadd.s32 v1, v4;
	_ =	sdelay $0x1  }
0x160: {  	v3 =	vperm.xlane v3, v2;
	_ =	sdelay $0x1  }
0x161: {  	s21 =	simm.s32 $0xA600;
	v3 =	vadd.s32 v1, v3  }
0x162: {  	[tilespmem:s21], [sflag:$0x2] =	stream.indirect_vreg.gather [hbm4b:s2+s3], $0x80, v4, vm0, $0xb8;
	[tilespmem:$0x18600] =	vst v63  }
0x163: {  	s21 =	simm.s32 $0xAE00  }
0x164: {  	[tilespmem:s21], [sflag:$0x2] =	stream.indirect_vreg.gather [hbm4b:s5+s3], $0x80, v4, vm0, $0xb8;
	[tilespmem:$0x18600] =	vst v63  }
0x165: {  	s21 =	simm.s32 $0xB600  }
0x166: {  	[tilespmem:s21], [sflag:$0x2] =	stream.indirect_vreg.gather [hbm4b:s2+s3], $0x80, v3, vm0, $0xb8;
	[tilespmem:$0x18600] =	vst v63  }
0x167: {  	s21 =	simm.s32 $0xBE00  }
0x168: {  	[tilespmem:s21], [sflag:$0x2] =	stream.indirect_vreg.gather [hbm4b:s5+s3], $0x80, v3, vm0, $0xb8;
	[tilespmem:$0x18600] =	vst v63  }
0x169: {  	v3 =	vld [tilespmem:$0x420];
	_ =	sdelay $0x4  }
0x16a: {  	v30 =	vshll.u32 v3, $0x2  }
0x16b: {  	v3 =	vand.u32 $0x7, v3;
	v4 =	vand.u32 $0xFFFFFFE0, v30  }
0x16c: {  	v3 =	vor.u32 v3, v4  }
0x16d: {  	v4 =	vperm.xlane v3, v0;
	_ =	sdelay $0x1  }
0x16e: {  	v4 =	vadd.s32 v1, v4;
	_ =	sdelay $0x1  }
0x16f: {  	v3 =	vperm.xlane v3, v2;
	_ =	sdelay $0x1  }
0x170: {  	s21 =	simm.s32 $0xC600;
	v3 =	vadd.s32 v1, v3  }
0x171: {  	[tilespmem:s21], [sflag:$0x2] =	stream.indirect_vreg.gather [hbm4b:s2+s3], $0x80, v4, vm0, $0xb8;
	[tilespmem:$0x18600] =	vst v63  }
0x172: {  	s21 =	simm.s32 $0xCE00  }
0x173: {  	[tilespmem:s21], [sflag:$0x2] =	stream.indirect_vreg.gather [hbm4b:s5+s3], $0x80, v4, vm0, $0xb8;
	[tilespmem:$0x18600] =	vst v63  }
0x174: {  	s21 =	simm.s32 $0xD600  }
0x175: {  	[tilespmem:s21], [sflag:$0x2] =	stream.indirect_vreg.gather [hbm4b:s2+s3], $0x80, v3, vm0, $0xb8;
	[tilespmem:$0x18600] =	vst v63  }
0x176: {  	s21 =	simm.s32 $0xDE00  }
0x177: {  	[tilespmem:s21], [sflag:$0x2] =	stream.indirect_vreg.gather [hbm4b:s5+s3], $0x80, v3, vm0, $0xb8;
	[tilespmem:$0x18600] =	vst v63  }
0x178: {  	v3 =	vld [tilespmem:$0x430];
	_ =	sdelay $0x4  }
0x179: {  	v31 =	vshll.u32 v3, $0x2  }
0x17a: {  	v3 =	vand.u32 $0x7, v3;
	v4 =	vand.u32 $0xFFFFFFE0, v31  }
0x17b: {  	v3 =	vor.u32 v3, v4  }
0x17c: {  	v4 =	vperm.xlane v3, v0;
	_ =	sdelay $0x1  }
0x17d: {  	v4 =	vadd.s32 v1, v4;
	_ =	sdelay $0x1  }
0x17e: {  	v3 =	vperm.xlane v3, v2;
	_ =	sdelay $0x1  }
0x17f: {  	s21 =	simm.s32 $0xE600;
	v3 =	vadd.s32 v1, v3  }
0x180: {  	[tilespmem:s21], [sflag:$0x2] =	stream.indirect_vreg.gather [hbm4b:s2+s3], $0x80, v4, vm0, $0xb8;
	[tilespmem:$0x18600] =	vst v63  }
0x181: {  	s21 =	simm.s32 $0xEE00  }
0x182: {  	[tilespmem:s21], [sflag:$0x2] =	stream.indirect_vreg.gather [hbm4b:s5+s3], $0x80, v4, vm0, $0xb8;
	[tilespmem:$0x18600] =	vst v63  }
0x183: {  	s21 =	simm.s32 $0xF600  }
0x184: {  	[tilespmem:s21], [sflag:$0x2] =	stream.indirect_vreg.gather [hbm4b:s2+s3], $0x80, v3, vm0, $0xb8;
	[tilespmem:$0x18600] =	vst v63  }
0x185: {  	s21 =	simm.s32 $0xFE00  }
0x186: {  	[tilespmem:s21], [sflag:$0x2] =	stream.indirect_vreg.gather [hbm4b:s5+s3], $0x80, v3, vm0, $0xb8;
	[tilespmem:$0x18600] =	vst v63  }
0x187: {  	_ =	swait.ge [sflag:s19], $0x8000  }
0x188: {  	[sflag:s19] =	ssyncset.done $0x0  }
0x189: {  	s21 =	rddreg [dreg:$0x6];
	[sflag:s19] =	ssyncadd.s32 $0xFFFF8000  }
0x18a: {  	[hbm4b:s21+s3] =	stream.linear.scatter [tilespmem:s0], [sflag:$0x6], $0x8000, $0x38;
	[tilespmem:$0x18600] =	vst v63  }
0x18b: {  	_ =	swait.ge [sflag:s20], $0x8000  }
0x18c: {  	[sflag:s20] =	ssyncset.done $0x0  }
0x18d: {  	[sflag:s20] =	ssyncadd.s32 $0xFFFF8000  }
0x18e: {  	v3 =	vld [tilespmem:$0x140];
	_ =	sdelay $0x4  }
0x18f: {  	v3 =	vmul.f32 $9.999000000e+03, v3  }
0x190: {  	v32 =	vld [tilespmem:$0x150]  }
0x191: {  	v33 =	vld [tilespmem:$0x160];
	v3 =	vtrunc.f32 v3  }
0x192: {  	v34 =	vld [tilespmem:$0x170];
	v3 =	vcvt.f32.s32 v3;
	_ =	sdelay $0x1  }
0x193: {  	vm1 =	vgt.s32 v3, $0x0  }
0x194: {  	v4 =	vmul.f32 $9.999000000e+03, v32;
	v3 =	vnsel vm1, $0x0, v3  }
0x195: {  	v5 =	vmul.f32 $9.999000000e+03, v33;
	v3 =	vmin.u32 v3, $0x270F  }
0x196: {  	v6 =	vmul.f32 $9.999000000e+03, v34;
	v4 =	vtrunc.f32 v4;
	v35 =	vshll.u32 v3, $0x2  }
0x197: {  	v5 =	vtrunc.f32 v5;
	v36 =	vand.u32 $0x7, v3;
	v7 =	vand.u32 $0xFFE0, v35  }
0x198: {  	v6 =	vtrunc.f32 v6;
	v4 =	vcvt.f32.s32 v4;
	v7 =	vor.u32 v36, v7  }
0x199: {  	v5 =	vcvt.f32.s32 v5;
	v8 =	vperm.xlane v7, v0  }
0x19a: {  	v6 =	vcvt.f32.s32 v6;
	vm1 =	vgt.s32 v4, $0x0  }
0x19b: {  	v4 =	vnsel vm1, $0x0, v4;
	vm1 =	vgt.s32 v5, $0x0;
	v8 =	vadd.s32 v1, v8  }
0x19c: {  	[tilespmem:$0x480] =	vst v3;
	v3 =	vmin.u32 v4, $0x270F;
	v37 =	vnsel vm1, $0x0, v5;
	vm1 =	vgt.s32 v6, $0x0  }
0x19d: {  	[tilespmem:$0x490] =	vst v3;
	v3 =	vmin.u32 v37, $0x270F;
	v38 =	vnsel vm1, $0x0, v6;
	v39 =	vperm.xlane v7, v2  }
0x19e: {  	[tilespmem:$0x4A0] =	vst v3;
	v3 =	vmin.u32 v38, $0x270F  }
0x19f: {  	[tilespmem:$0x4B0] =	vst v3;
	v3 =	vadd.s32 v1, v39  }
0x1a0: {  	[tilespmem:s0], [sflag:$0x3] =	stream.indirect_vreg.gather [hbm4b:s2+s3], $0x80, v8, vm0, $0xb8;
	[tilespmem:$0x18600] =	vst v63  }
0x1a1: {  	_ = 	snop  }
0x1a2: {  	[tilespmem:s8], [sflag:$0x3] =	stream.indirect_vreg.gather [hbm4b:s5+s3], $0x80, v8, vm0, $0xb8;
	[tilespmem:$0x18600] =	vst v63  }
0x1a3: {  	_ = 	snop  }
0x1a4: {  	[tilespmem:s13], [sflag:$0x3] =	stream.indirect_vreg.gather [hbm4b:s2+s3], $0x80, v3, vm0, $0xb8;
	[tilespmem:$0x18600] =	vst v63  }
0x1a5: {  	_ = 	snop  }
0x1a6: {  	[tilespmem:s14], [sflag:$0x3] =	stream.indirect_vreg.gather [hbm4b:s5+s3], $0x80, v3, vm0, $0xb8;
	[tilespmem:$0x18600] =	vst v63  }
0x1a7: {  	v3 =	vld [tilespmem:$0x490];
	_ =	sdelay $0x4  }
0x1a8: {  	v40 =	vshll.u32 v3, $0x2  }
0x1a9: {  	v3 =	vand.u32 $0x7, v3;
	v4 =	vand.u32 $0xFFFFFFE0, v40  }
0x1aa: {  	v3 =	vor.u32 v3, v4  }
0x1ab: {  	v4 =	vperm.xlane v3, v0;
	_ =	sdelay $0x1  }
0x1ac: {  	v4 =	vadd.s32 v1, v4;
	_ =	sdelay $0x1  }
0x1ad: {  	v3 =	vperm.xlane v3, v2;
	_ =	sdelay $0x1  }
0x1ae: {  	v3 =	vadd.s32 v1, v3  }
0x1af: {  	[tilespmem:s1], [sflag:$0x3] =	stream.indirect_vreg.gather [hbm4b:s2+s3], $0x80, v4, vm0, $0xb8;
	[tilespmem:$0x18600] =	vst v63  }
0x1b0: {  	_ = 	snop  }
0x1b1: {  	[tilespmem:s4], [sflag:$0x3] =	stream.indirect_vreg.gather [hbm4b:s5+s3], $0x80, v4, vm0, $0xb8;
	[tilespmem:$0x18600] =	vst v63  }
0x1b2: {  	_ = 	snop  }
0x1b3: {  	[tilespmem:s7], [sflag:$0x3] =	stream.indirect_vreg.gather [hbm4b:s2+s3], $0x80, v3, vm0, $0xb8;
	[tilespmem:$0x18600] =	vst v63  }
0x1b4: {  	_ = 	snop  }
0x1b5: {  	[tilespmem:s9], [sflag:$0x3] =	stream.indirect_vreg.gather [hbm4b:s5+s3], $0x80, v3, vm0, $0xb8;
	[tilespmem:$0x18600] =	vst v63  }
0x1b6: {  	v3 =	vld [tilespmem:$0x4A0];
	_ =	sdelay $0x4  }
0x1b7: {  	v41 =	vshll.u32 v3, $0x2  }
0x1b8: {  	v3 =	vand.u32 $0x7, v3;
	v4 =	vand.u32 $0xFFFFFFE0, v41  }
0x1b9: {  	v3 =	vor.u32 v3, v4  }
0x1ba: {  	v4 =	vperm.xlane v3, v0;
	_ =	sdelay $0x1  }
0x1bb: {  	v4 =	vadd.s32 v1, v4;
	_ =	sdelay $0x1  }
0x1bc: {  	v3 =	vperm.xlane v3, v2;
	_ =	sdelay $0x1  }
0x1bd: {  	v3 =	vadd.s32 v1, v3  }
0x1be: {  	[tilespmem:s10], [sflag:$0x3] =	stream.indirect_vreg.gather [hbm4b:s2+s3], $0x80, v4, vm0, $0xb8;
	[tilespmem:$0x18600] =	vst v63  }
0x1bf: {  	_ = 	snop  }
0x1c0: {  	[tilespmem:s11], [sflag:$0x3] =	stream.indirect_vreg.gather [hbm4b:s5+s3], $0x80, v4, vm0, $0xb8;
	[tilespmem:$0x18600] =	vst v63  }
0x1c1: {  	_ = 	snop  }
0x1c2: {  	[tilespmem:s12], [sflag:$0x3] =	stream.indirect_vreg.gather [hbm4b:s2+s3], $0x80, v3, vm0, $0xb8;
	[tilespmem:$0x18600] =	vst v63  }
0x1c3: {  	_ = 	snop  }
0x1c4: {  	[tilespmem:s22], [sflag:$0x3] =	stream.indirect_vreg.gather [hbm4b:s5+s3], $0x80, v3, vm0, $0xb8;
	[tilespmem:$0x18600] =	vst v63  }
0x1c5: {  	v3 =	vld [tilespmem:$0x4B0];
	_ =	sdelay $0x4  }
0x1c6: {  	v42 =	vshll.u32 v3, $0x2  }
0x1c7: {  	v3 =	vand.u32 $0x7, v3;
	v4 =	vand.u32 $0xFFFFFFE0, v42  }
0x1c8: {  	v3 =	vor.u32 v3, v4  }
0x1c9: {  	v4 =	vperm.xlane v3, v0;
	_ =	sdelay $0x1  }
0x1ca: {  	v4 =	vadd.s32 v1, v4;
	_ =	sdelay $0x1  }
0x1cb: {  	v3 =	vperm.xlane v3, v2;
	_ =	sdelay $0x1  }
0x1cc: {  	v3 =	vadd.s32 v1, v3  }
0x1cd: {  	[tilespmem:s23], [sflag:$0x3] =	stream.indirect_vreg.gather [hbm4b:s2+s3], $0x80, v4, vm0, $0xb8;
	[tilespmem:$0x18600] =	vst v63  }
0x1ce: {  	_ = 	snop  }
0x1cf: {  	[tilespmem:s25], [sflag:$0x3] =	stream.indirect_vreg.gather [hbm4b:s5+s3], $0x80, v4, vm0, $0xb8;
	[tilespmem:$0x18600] =	vst v63  }
0x1d0: {  	_ = 	snop  }
0x1d1: {  	[tilespmem:s26], [sflag:$0x3] =	stream.indirect_vreg.gather [hbm4b:s2+s3], $0x80, v3, vm0, $0xb8;
	[tilespmem:$0x18600] =	vst v63  }
0x1d2: {  	_ = 	snop  }
0x1d3: {  	[tilespmem:s28], [sflag:$0x3] =	stream.indirect_vreg.gather [hbm4b:s5+s3], $0x80, v3, vm0, $0xb8;
	[tilespmem:$0x18600] =	vst v63  }
0x1d4: {  	_ =	swait.ge [sflag:s15], $0x8000  }
0x1d5: {  	[sflag:s15] =	ssyncset.done $0x0  }
0x1d6: {  	s1 =	rddreg [dreg:$0x7];
	[sflag:s15] =	ssyncadd.s32 $0xFFFF8000  }
0x1d7: {  	[hbm4b:s1+s3] =	stream.linear.scatter [tilespmem:s29], [sflag:$0x4], $0x8000, $0x38;
	[tilespmem:$0x18600] =	vst v63  }
0x1d8: {  	_ =	swait.ge [sflag:s16], $0x8000  }
0x1d9: {  	[sflag:s16] =	ssyncset.done $0x0  }
0x1da: {  	[sflag:s16] =	ssyncadd.s32 $0xFFFF8000  }
0x1db: {  	v3 =	vld [tilespmem:$0x180];
	_ =	sdelay $0x4  }
0x1dc: {  	v3 =	vmul.f32 $9.999000000e+03, v3  }
0x1dd: {  	v43 =	vld [tilespmem:$0x190]  }
0x1de: {  	v44 =	vld [tilespmem:$0x1A0];
	v3 =	vtrunc.f32 v3  }
0x1df: {  	v45 =	vld [tilespmem:$0x1B0];
	v3 =	vcvt.f32.s32 v3;
	_ =	sdelay $0x1  }
0x1e0: {  	vm1 =	vgt.s32 v3, $0x0  }
0x1e1: {  	v4 =	vmul.f32 $9.999000000e+03, v43;
	v3 =	vnsel vm1, $0x0, v3  }
0x1e2: {  	v5 =	vmul.f32 $9.999000000e+03, v44;
	v3 =	vmin.u32 v3, $0x270F  }
0x1e3: {  	v6 =	vmul.f32 $9.999000000e+03, v45;
	v4 =	vtrunc.f32 v4;
	v46 =	vshll.u32 v3, $0x2  }
0x1e4: {  	v5 =	vtrunc.f32 v5;
	v47 =	vand.u32 $0x7, v3;
	v7 =	vand.u32 $0xFFE0, v46  }
0x1e5: {  	v6 =	vtrunc.f32 v6;
	v4 =	vcvt.f32.s32 v4;
	v7 =	vor.u32 v47, v7  }
0x1e6: {  	v5 =	vcvt.f32.s32 v5;
	v8 =	vperm.xlane v7, v0  }
0x1e7: {  	v6 =	vcvt.f32.s32 v6;
	vm1 =	vgt.s32 v4, $0x0  }
0x1e8: {  	v4 =	vnsel vm1, $0x0, v4;
	vm1 =	vgt.s32 v5, $0x0;
	v8 =	vadd.s32 v1, v8  }
0x1e9: {  	[tilespmem:$0x500] =	vst v3;
	v3 =	vmin.u32 v4, $0x270F;
	v48 =	vnsel vm1, $0x0, v5;
	vm1 =	vgt.s32 v6, $0x0  }
0x1ea: {  	[tilespmem:$0x510] =	vst v3;
	v3 =	vmin.u32 v48, $0x270F;
	v49 =	vnsel vm1, $0x0, v6;
	v50 =	vperm.xlane v7, v2  }
0x1eb: {  	[tilespmem:$0x520] =	vst v3;
	v3 =	vmin.u32 v49, $0x270F  }
0x1ec: {  	[tilespmem:$0x530] =	vst v3;
	v3 =	vadd.s32 v1, v50  }
0x1ed: {  	[tilespmem:s29], [sflag:$0x1] =	stream.indirect_vreg.gather [hbm4b:s2+s3], $0x80, v8, vm0, $0xb8;
	[tilespmem:$0x18600] =	vst v63  }
0x1ee: {  	s21 =	simm.s32 $0xE00  }
0x1ef: {  	[tilespmem:s21], [sflag:$0x1] =	stream.indirect_vreg.gather [hbm4b:s5+s3], $0x80, v8, vm0, $0xb8;
	[tilespmem:$0x18600] =	vst v63  }
0x1f0: {  	s21 =	simm.s32 $0x1600  }
0x1f1: {  	[tilespmem:s21], [sflag:$0x1] =	stream.indirect_vreg.gather [hbm4b:s2+s3], $0x80, v3, vm0, $0xb8;
	[tilespmem:$0x18600] =	vst v63  }
0x1f2: {  	s21 =	simm.s32 $0x1E00  }
0x1f3: {  	[tilespmem:s21], [sflag:$0x1] =	stream.indirect_vreg.gather [hbm4b:s5+s3], $0x80, v3, vm0, $0xb8;
	[tilespmem:$0x18600] =	vst v63  }
0x1f4: {  	v3 =	vld [tilespmem:$0x510];
	_ =	sdelay $0x4  }
0x1f5: {  	v51 =	vshll.u32 v3, $0x2  }
0x1f6: {  	v3 =	vand.u32 $0x7, v3;
	v4 =	vand.u32 $0xFFFFFFE0, v51  }
0x1f7: {  	v3 =	vor.u32 v3, v4  }
0x1f8: {  	v4 =	vperm.xlane v3, v0;
	_ =	sdelay $0x1  }
0x1f9: {  	v4 =	vadd.s32 v1, v4;
	_ =	sdelay $0x1  }
0x1fa: {  	v3 =	vperm.xlane v3, v2;
	_ =	sdelay $0x1  }
0x1fb: {  	s21 =	simm.s32 $0x2600;
	v3 =	vadd.s32 v1, v3  }
0x1fc: {  	[tilespmem:s21], [sflag:$0x1] =	stream.indirect_vreg.gather [hbm4b:s2+s3], $0x80, v4, vm0, $0xb8;
	[tilespmem:$0x18600] =	vst v63  }
0x1fd: {  	s21 =	simm.s32 $0x2E00  }
0x1fe: {  	[tilespmem:s21], [sflag:$0x1] =	stream.indirect_vreg.gather [hbm4b:s5+s3], $0x80, v4, vm0, $0xb8;
	[tilespmem:$0x18600] =	vst v63  }
0x1ff: {  	s21 =	simm.s32 $0x3600  }
0x200: {  	[tilespmem:s21], [sflag:$0x1] =	stream.indirect_vreg.gather [hbm4b:s2+s3], $0x80, v3, vm0, $0xb8;
	[tilespmem:$0x18600] =	vst v63  }
0x201: {  	_ = 	snop  }
0x202: {  	[tilespmem:s30], [sflag:$0x1] =	stream.indirect_vreg.gather [hbm4b:s5+s3], $0x80, v3, vm0, $0xb8;
	[tilespmem:$0x18600] =	vst v63  }
0x203: {  	v3 =	vld [tilespmem:$0x520];
	_ =	sdelay $0x4  }
0x204: {  	v52 =	vshll.u32 v3, $0x2  }
0x205: {  	v3 =	vand.u32 $0x7, v3;
	v4 =	vand.u32 $0xFFFFFFE0, v52  }
0x206: {  	v3 =	vor.u32 v3, v4  }
0x207: {  	v4 =	vperm.xlane v3, v0;
	_ =	sdelay $0x1  }
0x208: {  	v4 =	vadd.s32 v1, v4;
	_ =	sdelay $0x1  }
0x209: {  	v3 =	vperm.xlane v3, v2;
	_ =	sdelay $0x1  }
0x20a: {  	v3 =	vadd.s32 v1, v3  }
0x20b: {  	[tilespmem:s31], [sflag:$0x1] =	stream.indirect_vreg.gather [hbm4b:s2+s3], $0x80, v4, vm0, $0xb8;
	[tilespmem:$0x18600] =	vst v63  }
0x20c: {  	s21 =	simm.s32 $0x4E00  }
0x20d: {  	[tilespmem:s21], [sflag:$0x1] =	stream.indirect_vreg.gather [hbm4b:s5+s3], $0x80, v4, vm0, $0xb8;
	[tilespmem:$0x18600] =	vst v63  }
0x20e: {  	s21 =	simm.s32 $0x5600  }
0x20f: {  	[tilespmem:s21], [sflag:$0x1] =	stream.indirect_vreg.gather [hbm4b:s2+s3], $0x80, v3, vm0, $0xb8;
	[tilespmem:$0x18600] =	vst v63  }
0x210: {  	s21 =	simm.s32 $0x5E00  }
0x211: {  	[tilespmem:s21], [sflag:$0x1] =	stream.indirect_vreg.gather [hbm4b:s5+s3], $0x80, v3, vm0, $0xb8;
	[tilespmem:$0x18600] =	vst v63  }
0x212: {  	v3 =	vld [tilespmem:$0x530];
	_ =	sdelay $0x4  }
0x213: {  	v53 =	vshll.u32 v3, $0x2  }
0x214: {  	v3 =	vand.u32 $0x7, v3;
	v4 =	vand.u32 $0xFFFFFFE0, v53  }
0x215: {  	v3 =	vor.u32 v3, v4  }
0x216: {  	v4 =	vperm.xlane v3, v0;
	_ =	sdelay $0x1  }
0x217: {  	v4 =	vadd.s32 v1, v4;
	_ =	sdelay $0x1  }
0x218: {  	v3 =	vperm.xlane v3, v2;
	_ =	sdelay $0x1  }
0x219: {  	s21 =	simm.s32 $0x6600;
	v3 =	vadd.s32 v1, v3  }
0x21a: {  	[tilespmem:s21], [sflag:$0x1] =	stream.indirect_vreg.gather [hbm4b:s2+s3], $0x80, v4, vm0, $0xb8;
	[tilespmem:$0x18600] =	vst v63  }
0x21b: {  	s21 =	simm.s32 $0x6E00  }
0x21c: {  	[tilespmem:s21], [sflag:$0x1] =	stream.indirect_vreg.gather [hbm4b:s5+s3], $0x80, v4, vm0, $0xb8;
	[tilespmem:$0x18600] =	vst v63  }
0x21d: {  	s21 =	simm.s32 $0x7600  }
0x21e: {  	[tilespmem:s21], [sflag:$0x1] =	stream.indirect_vreg.gather [hbm4b:s2+s3], $0x80, v3, vm0, $0xb8;
	[tilespmem:$0x18600] =	vst v63  }
0x21f: {  	s21 =	simm.s32 $0x7E00  }
0x220: {  	[tilespmem:s21], [sflag:$0x1] =	stream.indirect_vreg.gather [hbm4b:s5+s3], $0x80, v3, vm0, $0xb8;
	[tilespmem:$0x18600] =	vst v63  }
0x221: {  	_ =	swait.ge [sflag:s17], $0x8000  }
0x222: {  	[sflag:s17] =	ssyncset.done $0x0  }
0x223: {  	s1 =	rddreg [dreg:$0x8];
	[sflag:s17] =	ssyncadd.s32 $0xFFFF8000  }
0x224: {  	[hbm4b:s1+s3] =	stream.linear.scatter [tilespmem:s24], [sflag:$0x5], $0x8000, $0x38;
	[tilespmem:$0x18600] =	vst v63  }
0x225: {  	_ =	swait.ge [sflag:s18], $0x8000  }
0x226: {  	[sflag:s18] =	ssyncset.done $0x0  }
0x227: {  	[sflag:s18] =	ssyncadd.s32 $0xFFFF8000  }
0x228: {  	v3 =	vld [tilespmem:$0x1C0];
	_ =	sdelay $0x4  }
0x229: {  	v3 =	vmul.f32 $9.999000000e+03, v3  }
0x22a: {  	v54 =	vld [tilespmem:$0x1D0]  }
0x22b: {  	v55 =	vld [tilespmem:$0x1E0];
	v3 =	vtrunc.f32 v3  }
0x22c: {  	v56 =	vld [tilespmem:$0x1F0];
	v3 =	vcvt.f32.s32 v3;
	_ =	sdelay $0x1  }
0x22d: {  	vm1 =	vgt.s32 v3, $0x0  }
0x22e: {  	v4 =	vmul.f32 $9.999000000e+03, v54;
	v3 =	vnsel vm1, $0x0, v3  }
0x22f: {  	v5 =	vmul.f32 $9.999000000e+03, v55;
	v3 =	vmin.u32 v3, $0x270F  }
0x230: {  	v6 =	vmul.f32 $9.999000000e+03, v56;
	v4 =	vtrunc.f32 v4;
	v57 =	vshll.u32 v3, $0x2  }
0x231: {  	v5 =	vtrunc.f32 v5;
	v58 =	vand.u32 $0x7, v3;
	v7 =	vand.u32 $0xFFE0, v57  }
0x232: {  	v6 =	vtrunc.f32 v6;
	v4 =	vcvt.f32.s32 v4;
	v7 =	vor.u32 v58, v7  }
0x233: {  	v5 =	vcvt.f32.s32 v5;
	v8 =	vperm.xlane v7, v0  }
0x234: {  	v6 =	vcvt.f32.s32 v6;
	vm1 =	vgt.s32 v4, $0x0  }
0x235: {  	v4 =	vnsel vm1, $0x0, v4;
	vm1 =	vgt.s32 v5, $0x0;
	v8 =	vadd.s32 v1, v8  }
0x236: {  	[tilespmem:$0x580] =	vst v3;
	v3 =	vmin.u32 v4, $0x270F;
	v59 =	vnsel vm1, $0x0, v5;
	vm1 =	vgt.s32 v6, $0x0  }
0x237: {  	[tilespmem:$0x590] =	vst v3;
	v3 =	vnsel vm1, $0x0, v6;
	v4 =	vmin.u32 v59, $0x270F;
	v60 =	vperm.xlane v7, v2  }
0x238: {  	[tilespmem:$0x5A0] =	vst v4;
	v3 =	vmin.u32 v3, $0x270F  }
0x239: {  	[tilespmem:$0x5B0] =	vst v3;
	v3 =	vadd.s32 v1, v60  }
0x23a: {  	[tilespmem:s24], [sflag:$0x2] =	stream.indirect_vreg.gather [hbm4b:s2+s3], $0x80, v8, vm0, $0xb8;
	[tilespmem:$0x18600] =	vst v63  }
0x23b: {  	s21 =	simm.s32 $0x8E00  }
0x23c: {  	[tilespmem:s21], [sflag:$0x2] =	stream.indirect_vreg.gather [hbm4b:s5+s3], $0x80, v8, vm0, $0xb8;
	[tilespmem:$0x18600] =	vst v63  }
0x23d: {  	s21 =	simm.s32 $0x9600  }
0x23e: {  	[tilespmem:s21], [sflag:$0x2] =	stream.indirect_vreg.gather [hbm4b:s2+s3], $0x80, v3, vm0, $0xb8;
	[tilespmem:$0x18600] =	vst v63  }
0x23f: {  	s21 =	simm.s32 $0x9E00  }
0x240: {  	[tilespmem:s21], [sflag:$0x2] =	stream.indirect_vreg.gather [hbm4b:s5+s3], $0x80, v3, vm0, $0xb8;
	[tilespmem:$0x18600] =	vst v63  }
0x241: {  	v3 =	vld [tilespmem:$0x590];
	_ =	sdelay $0x4  }
0x242: {  	v61 =	vshll.u32 v3, $0x2  }
0x243: {  	v3 =	vand.u32 $0x7, v3;
	v4 =	vand.u32 $0xFFFFFFE0, v61  }
0x244: {  	v3 =	vor.u32 v3, v4  }
0x245: {  	v4 =	vperm.xlane v3, v0;
	_ =	sdelay $0x1  }
0x246: {  	v4 =	vadd.s32 v1, v4;
	_ =	sdelay $0x1  }
0x247: {  	v3 =	vperm.xlane v3, v2;
	_ =	sdelay $0x1  }
0x248: {  	s21 =	simm.s32 $0xA600;
	v3 =	vadd.s32 v1, v3  }
0x249: {  	[tilespmem:s21], [sflag:$0x2] =	stream.indirect_vreg.gather [hbm4b:s2+s3], $0x80, v4, vm0, $0xb8;
	[tilespmem:$0x18600] =	vst v63  }
0x24a: {  	s21 =	simm.s32 $0xAE00  }
0x24b: {  	[tilespmem:s21], [sflag:$0x2] =	stream.indirect_vreg.gather [hbm4b:s5+s3], $0x80, v4, vm0, $0xb8;
	[tilespmem:$0x18600] =	vst v63  }
0x24c: {  	s21 =	simm.s32 $0xB600  }
0x24d: {  	[tilespmem:s21], [sflag:$0x2] =	stream.indirect_vreg.gather [hbm4b:s2+s3], $0x80, v3, vm0, $0xb8;
	[tilespmem:$0x18600] =	vst v63  }
0x24e: {  	s21 =	simm.s32 $0xBE00  }
0x24f: {  	[tilespmem:s21], [sflag:$0x2] =	stream.indirect_vreg.gather [hbm4b:s5+s3], $0x80, v3, vm0, $0xb8;
	[tilespmem:$0x18600] =	vst v63  }
0x250: {  	v3 =	vld [tilespmem:$0x5A0];
	_ =	sdelay $0x4  }
0x251: {  	v62 =	vshll.u32 v3, $0x2  }
0x252: {  	v3 =	vand.u32 $0x7, v3;
	v4 =	vand.u32 $0xFFFFFFE0, v62  }
0x253: {  	v3 =	vor.u32 v3, v4  }
0x254: {  	v4 =	vperm.xlane v3, v0;
	_ =	sdelay $0x1  }
0x255: {  	v4 =	vadd.s32 v1, v4;
	_ =	sdelay $0x1  }
0x256: {  	v3 =	vperm.xlane v3, v2;
	_ =	sdelay $0x1  }
0x257: {  	s21 =	simm.s32 $0xC600;
	v3 =	vadd.s32 v1, v3  }
0x258: {  	[tilespmem:s21], [sflag:$0x2] =	stream.indirect_vreg.gather [hbm4b:s2+s3], $0x80, v4, vm0, $0xb8;
	[tilespmem:$0x18600] =	vst v63  }
0x259: {  	s21 =	simm.s32 $0xCE00  }
0x25a: {  	[tilespmem:s21], [sflag:$0x2] =	stream.indirect_vreg.gather [hbm4b:s5+s3], $0x80, v4, vm0, $0xb8;
	[tilespmem:$0x18600] =	vst v63  }
0x25b: {  	s21 =	simm.s32 $0xD600  }
0x25c: {  	[tilespmem:s21], [sflag:$0x2] =	stream.indirect_vreg.gather [hbm4b:s2+s3], $0x80, v3, vm0, $0xb8;
	[tilespmem:$0x18600] =	vst v63  }
0x25d: {  	s21 =	simm.s32 $0xDE00  }
0x25e: {  	[tilespmem:s21], [sflag:$0x2] =	stream.indirect_vreg.gather [hbm4b:s5+s3], $0x80, v3, vm0, $0xb8;
	[tilespmem:$0x18600] =	vst v63  }
0x25f: {  	v3 =	vld [tilespmem:$0x5B0];
	_ =	sdelay $0x4  }
0x260: {  	v63 =	vshll.u32 v3, $0x2  }
0x261: {  	v3 =	vand.u32 $0x7, v3;
	v4 =	vand.u32 $0xFFFFFFE0, v63  }
0x262: {  	v3 =	vor.u32 v3, v4  }
0x263: {  	v4 =	vperm.xlane v3, v0;
	_ =	sdelay $0x1  }
0x264: {  	v4 =	vadd.s32 v1, v4;
	_ =	sdelay $0x1  }
0x265: {  	v3 =	vperm.xlane v3, v2;
	_ =	sdelay $0x1  }
0x266: {  	s21 =	simm.s32 $0xE600;
	v3 =	vadd.s32 v1, v3  }
0x267: {  	[tilespmem:s21], [sflag:$0x2] =	stream.indirect_vreg.gather [hbm4b:s2+s3], $0x80, v4, vm0, $0xb8;
	[tilespmem:$0x18600] =	vst v63  }
0x268: {  	s21 =	simm.s32 $0xEE00  }
0x269: {  	[tilespmem:s21], [sflag:$0x2] =	stream.indirect_vreg.gather [hbm4b:s5+s3], $0x80, v4, vm0, $0xb8;
	[tilespmem:$0x18600] =	vst v63  }
0x26a: {  	s21 =	simm.s32 $0xF600  }
0x26b: {  	[tilespmem:s21], [sflag:$0x2] =	stream.indirect_vreg.gather [hbm4b:s2+s3], $0x80, v3, vm0, $0xb8;
	[tilespmem:$0x18600] =	vst v63  }
0x26c: {  	s21 =	simm.s32 $0xFE00  }
0x26d: {  	[tilespmem:s21], [sflag:$0x2] =	stream.indirect_vreg.gather [hbm4b:s5+s3], $0x80, v3, vm0, $0xb8;
	[tilespmem:$0x18600] =	vst v63  }
0x26e: {  	_ =	swait.ge [sflag:s19], $0x8000  }
0x26f: {  	[sflag:s19] =	ssyncset.done $0x0  }
0x270: {  	s1 =	rddreg [dreg:$0x9];
	[sflag:s19] =	ssyncadd.s32 $0xFFFF8000  }
0x271: {  	[hbm4b:s1+s3] =	stream.linear.scatter [tilespmem:s0], [sflag:$0x6], $0x8000, $0x38;
	[tilespmem:$0x18600] =	vst v63  }
0x272: {  	_ =	swait.ge [sflag:s15], $0x8000  }
0x273: {  	[sflag:s15] =	ssyncset.done $0x0  }
0x274: {  	s0 =	rddreg [dreg:$0xa];
	[sflag:s15] =	ssyncadd.s32 $0xFFFF8000  }
0x275: {  	[hbm4b:s0+s3] =	stream.linear.scatter [tilespmem:s29], [sflag:$0x4], $0x8000, $0x38;
	[tilespmem:$0x18600] =	vst v63  }
0x276: {  	_ =	swait.ge [sflag:s17], $0x8000  }
0x277: {  	[sflag:s17] =	ssyncset.done $0x0  }
0x278: {  	s1 =	rddreg [dreg:$0xb];
	[sflag:s17] =	ssyncadd.s32 $0xFFFF8000  }
0x279: {  	[hbm4b:s1+s3] =	stream.linear.scatter [tilespmem:s24], [sflag:$0x5], $0x8000, $0x38;
	[tilespmem:$0x18600] =	vst v63  }
0x27a: {  	_ =	swait.ge [sflag:s16], $0x8000  }
0x27b: {  	[sflag:s16] =	ssyncset.done $0x0  }
0x27c: {  	[sflag:s16] =	ssyncadd.s32 $0xFFFF8000  }
0x27d: {  	p0 =	sne.s32 s6, $0x1;
	_ =	swait.ge [sflag:s18], $0x8000  }
.Ltmp0:
0x27e: {  	[sflag:s18] =	ssyncset.done $0x0;
	(pc) =	sbr.rel @p0 .LBB2_1-.Ltmp0, $4  }
0x27f: {  	[sflag:s18] =	ssyncadd.s32 $0xFFFF8000  }
0x280: {  	_ =	swait.ge [sflag:s20], $0x8000  }
0x281: {  	[sflag:s20] =	ssyncset.done $0x0  }
0x282: {  	s6 =	sadd.s32 $0xFFFFFFFF, s6;
	[sflag:s20] =	ssyncadd.s32 $0xFFFF8000  }
0x283: {  	_ =	sfence.sel $0x180000  }
0x284: {  	[bflag:$0x0] =	sbarrier.arrive $0xFFFF  }
0x285: {  	_ =	strace $0x90000047  }
0x286: {  	s0 =	stileid.u32;
	[bflag:$0x2] =	sbarrier.arrive $0xFFFF  }
0x287: {  	p0 =	sne.s32 s0, $0x0;
	s0 =	rddreg [dreg:$0x3]  }
0x288: {  	s0 =	sadd.s32 @!p0 $0x100000, s0  }
0x289: {  	[sflag:s0] =	ssyncadd.tile.s32 @!p0 $0x1;
	_ =	shalt  }
.Lfunc_end2:
_tile_overlayer_lowered:
.L_overlay_start_2:
0x28a: {  	(tag) =	ssettag $0x2  }
0x28b: {  	s0 =	rddreg [dreg:$0x0];
	s2 =	stileid.u32  }
0x28c: {  	s1 =	rddreg [dreg:$0x1];
	p0 =	sne.s32 s2, $0x0  }
0x28d: {  	s3 =	rddreg [dreg:$0x2];
	[bflag:$0x3] =	sbarrier.arrive $0xFFFF;
	s2 =	simm.s32 @!p0 $0x1C07  }
0x28e: {  	[timem:s3], [sflag:s2] =	dma.local @!p0 [hbm:s0], s1  }
0x28f: {  	s0 =	simm.s32 @!p0 $0x7  }
0x290: {  	_ =	swait.ge @!p0 [sflag:s0], s1  }
0x291: {  	s1 =	ssub.s32 @!p0 $0x0, s1;
	[sflag:s0] =	ssyncset.done @!p0 $0x0  }
0x292: {  	[sflag:s0] =	ssyncadd.s32 @!p0 s1  }
0x293: {  	[bflag:$0x3] =	sbarrier.arrive $0xFFFF  }
0x294: {  	_ =	shalt  }

</sc_bundles>
